<compile_context>
chip_gen: v7x
topology: tpu7x:2x2x1
jax: 0.10.2.dev20260603
libtpu: 0.0.44.dev20260713+nightly
codegen_flags: <defaults>
</compile_context>

<pallas_src>
import jax
import jax.numpy as jnp
from jax import lax
from jax.experimental import pallas as pl
from jax.experimental.pallas import tpu as pltpu
from jax.experimental.pallas import tpu_sc as plsc

B, C, H, W = 8, 3, 512, 512
NC, NS, L = 2, 16, 16
IMGS_PER_CORE = B // NC
WPI = NS // IMGS_PER_CORE
ROWS_PER_WORKER = H // WPI
RB = 16
NCHUNK = ROWS_PER_WORKER // RB
NJ = W // L
NACC = 8


def _sc_body(seg_hbm, out_hbm, buf, stage, gather, feat, shared, sem0, sem1):
    c = lax.axis_index("c")
    s = lax.axis_index("s")
    img = s // WPI
    q = s % WPI
    b = c * IMGS_PER_CORE + img
    r0 = q * ROWS_PER_WORKER

    sems = (sem0, sem1)

    def start(g):
        return pltpu.async_copy(
            seg_hbm.at[b, :, pl.ds(r0 + g * RB, RB), :],
            buf.at[g % 2],
            sems[g % 2],
        )

    iota_f = lax.iota(jnp.int32, L).astype(jnp.float32)
    zv = jnp.zeros((L,), jnp.float32)
    onev = jnp.full((L,), 1.0, jnp.float32)
    bigv = jnp.full((L,), float(H + W), jnp.float32)
    negv = jnp.full((L,), -1.0, jnp.float32)

    zu = jnp.zeros((L,), jnp.uint32)
    oneu = jnp.full((L,), 1, jnp.uint32)
    zi = jnp.zeros((L,), jnp.int32)

    NR = 4

    carry = ((zi,) * NR, zi, zv, zv, zu, bigv, negv)

    def process_chunk(par, g, car):
        def row_body(rr, car):
            cnt_ps, cnt_v, pw, vw, colbits, rmin, rmax = car
            prevs = cnt_ps

            def grp_body(j, gcar):
                cnt_ps, cnt_v, pw, vw, colbits, bb = gcar
                cnt_ps = list(cnt_ps)
                for k in range(NR):
                    r = NR * rr + k
                    l0 = buf[par, 0, r, pl.ds(j * L, L)]
                    l1 = buf[par, 1, r, pl.ds(j * L, L)]
                    l2 = buf[par, 2, r, pl.ds(j * L, L)]
                    d1 = l1 - l0
                    d2 = l2 - l0
                    f1 = jnp.exp(d1)
                    f2 = jnp.exp(d2)
                    inv = 1.0 / (1.0 + f1 + f2)
                    fgm = jnp.maximum(l1, l2) > l0
                    c12 = l1 >= l2
                    plq = fgm & c12
                    ves = fgm ^ plq
                    cnt_ps[k] = cnt_ps[k] + plsc.all_reduce_population_count(plq)
                    cnt_v = cnt_v + plsc.all_reduce_population_count(ves)
                    pw = pw + jnp.where(plq, f1 * inv, zv)
                    vw = vw + jnp.where(ves, f2 * inv, zv)
                    colbits = colbits | jnp.where(plq, bb, zu)
                bb = bb << 1
                return (tuple(cnt_ps), cnt_v, pw, vw, colbits, bb)

            cnt_ps, cnt_v, pw, vw, colbits, _ = lax.fori_loop(
                0, NJ, grp_body, (cnt_ps, cnt_v, pw, vw, colbits, oneu)
            )
            for k in range(NR):
                rowf = (r0 + g * RB + NR * rr + k).astype(jnp.float32)
                rmask = cnt_ps[k] > prevs[k]
                rmin = jnp.minimum(rmin, jnp.where(rmask, rowf, bigv))
                rmax = jnp.maximum(rmax, jnp.where(rmask, rowf, negv))
            return (cnt_ps, cnt_v, pw, vw, colbits, rmin, rmax)

        return lax.fori_loop(0, RB // NR, row_body, car)

    start(0)

    def chunk_pair(i, car):
        g0 = 2 * i
        pltpu.async_copy(
            seg_hbm.at[b, :, pl.ds(r0 + (g0 + 1) * RB, RB), :], buf.at[1], sem1
        )
        pltpu.make_async_copy(
            seg_hbm.at[b, :, pl.ds(r0 + g0 * RB, RB), :], buf.at[0], sem0
        ).wait()
        car = process_chunk(0, g0, car)

        @pl.when(i < NCHUNK // 2 - 1)
        def _():
            pltpu.async_copy(
                seg_hbm.at[b, :, pl.ds(r0 + (g0 + 2) * RB, RB), :],
                buf.at[0], sem0,
            )

        pltpu.make_async_copy(
            seg_hbm.at[b, :, pl.ds(r0 + (g0 + 1) * RB, RB), :], buf.at[1], sem1
        ).wait()
        car = process_chunk(1, g0 + 1, car)
        return car

    carry = lax.fori_loop(0, NCHUNK // 2, chunk_pair, carry)

    cnt_ps, cnt_v, pw, vw, colbits, rmin, rmax = carry
    cnt_p = cnt_ps[0] + cnt_ps[1] + cnt_ps[2] + cnt_ps[3]

    def col_fold(j, cc):
        cmin, cmax = cc
        anyv = ((colbits >> j) & oneu) > 0
        colf = iota_f + (j * L).astype(jnp.float32)
        cmin = jnp.minimum(cmin, jnp.where(anyv, colf, bigv))
        cmax = jnp.maximum(cmax, jnp.where(anyv, colf, negv))
        return (cmin, cmax)

    cmin, cmax = lax.fori_loop(0, NJ, col_fold, (bigv, negv))
    carry = (cnt_p.astype(jnp.float32), cnt_v.astype(jnp.float32),
             pw, vw, cmin, cmax, rmin, rmax)

    for i in range(NACC):
        stage[i, :] = carry[i]
    pltpu.sync_copy(stage, shared.at[s])
    plsc.subcore_barrier()

    @pl.when(q == 0)
    def _combine():
        pltpu.sync_copy(shared.at[pl.ds(s, WPI)], gather)
        cnt_p = gather[0, 0, :] + gather[1, 0, :] + gather[2, 0, :] + gather[3, 0, :]
        cnt_v = gather[0, 1, :] + gather[1, 1, :] + gather[2, 1, :] + gather[3, 1, :]
        pw = gather[0, 2, :] + gather[1, 2, :] + gather[2, 2, :] + gather[3, 2, :]
        vw = gather[0, 3, :] + gather[1, 3, :] + gather[2, 3, :] + gather[3, 3, :]
        cmin = jnp.minimum(jnp.minimum(gather[0, 4, :], gather[1, 4, :]),
                           jnp.minimum(gather[2, 4, :], gather[3, 4, :]))
        cmax = jnp.maximum(jnp.maximum(gather[0, 5, :], gather[1, 5, :]),
                           jnp.maximum(gather[2, 5, :], gather[3, 5, :]))
        rmin = jnp.minimum(jnp.minimum(gather[0, 6, :], gather[1, 6, :]),
                           jnp.minimum(gather[2, 6, :], gather[3, 6, :]))
        rmax = jnp.maximum(jnp.maximum(gather[0, 7, :], gather[1, 7, :]),
                           jnp.maximum(gather[2, 7, :], gather[3, 7, :]))

        sp = jnp.max(cnt_p)
        sv = jnp.max(cnt_v)
        spw = jnp.sum(pw)
        svw = jnp.sum(vw)
        cmn = jnp.min(cmin)
        cmx = jnp.max(cmax)
        rmn = jnp.min(rmin)
        rmx = jnp.max(rmax)

        fg = sp + sv
        hp = sp > 0.0
        zero = jnp.float32(0.0)
        hr = jnp.where(hp, rmx - rmn, zero)
        wr = jnp.where(hp, cmx - cmn, zero)

        nums = (
            sp,
            sp,
            spw,
            hr,
            wr,
            2.0 * (hr + wr),
            svw,
            jnp.where(hp, spw, zero),
            fg,
            sp,
        )
        dens = (
            sv + 1e-6,
            fg + 1e-6,
            1.0,
            float(H),
            float(W),
            float(H + W),
            1.0,
            sp + 1e-6,
            float(H * W),
            float(H * W),
        )
        lane = lax.iota(jnp.int32, L)
        num = zv
        den = onev
        for k in range(10):
            sel = lane == k
            num = jnp.where(sel, nums[k], num)
            den = jnp.where(sel, dens[k], den)
        feat[:] = num / den
        pltpu.sync_copy(feat, out_hbm.at[b])


_mesh = plsc.VectorSubcoreMesh(
    core_axis_name="c", subcore_axis_name="s", num_cores=NC, num_subcores=NS
)

_sc_kernel = pl.kernel(
    _sc_body,
    out_type=jax.ShapeDtypeStruct((B, L), jnp.float32),
    mesh=_mesh,
    scratch_types=[
        pltpu.VMEM((2, C, RB, W), jnp.float32),
        pltpu.VMEM((NACC, L), jnp.float32),
        pltpu.VMEM((WPI, NACC, L), jnp.float32),
        pltpu.VMEM((L,), jnp.float32),
        pltpu.VMEM_SHARED((NS, NACC, L), jnp.float32),
        pltpu.SemaphoreType.DMA,
        pltpu.SemaphoreType.DMA,
    ],
    compiler_params=pltpu.CompilerParams(needs_layout_passes=False),
)


@jax.jit
def kernel(seg_logits):
    out = _sc_kernel(seg_logits)
    return out[:, :10]

# --- scband reference (transcript-rebuilt; emitter-appended) ---
"""Pipeline reference for scband-morphological-feature-extractor-49778670961275 (READ-ONLY COPY).

The authoritative reference and input builder live on the scoring server;
editing this copy changes nothing except your own understanding.
"""

import jax, jax.numpy as jnp
import numpy as np


def setup_inputs(seed: int = 0) -> dict:
    key = jax.random.key(seed)
    seg_logits = jax.random.normal(key, (8, 3, 512, 512), dtype=jnp.float32)
    return {"seg_logits": seg_logits}


def reference(seg_logits):
    B, C, H, W = seg_logits.shape
    plaque_class = 1
    vessel_class = 2
    seg_probs = jax.nn.softmax(seg_logits, axis=1)
    seg_pred = jnp.argmax(seg_logits, axis=1)  # [B, H, W]
    plaque_mask = (seg_pred == plaque_class).astype(jnp.float32)
    vessel_mask = (seg_pred == vessel_class).astype(jnp.float32)
    fg_mask = (seg_pred > 0).astype(jnp.float32)

    plaque_area = plaque_mask.sum(axis=(1, 2))
    vessel_area = vessel_mask.sum(axis=(1, 2))
    fg_area = fg_mask.sum(axis=(1, 2))

    plaque_ratio = plaque_area / (vessel_area + 1e-06)
    plaque_ratio_fg = plaque_area / (fg_area + 1e-06)

    plaque_conf_weighted = (seg_probs[:, plaque_class] * plaque_mask).sum(axis=(1, 2))
    vessel_conf_weighted = (seg_probs[:, vessel_class] * vessel_mask).sum(axis=(1, 2))

    row_idx = jnp.arange(H, dtype=jnp.int32).reshape(1, H, 1)
    col_idx = jnp.arange(W, dtype=jnp.int32).reshape(1, 1, W)
    has_plaque = plaque_area > 0
    pm = plaque_mask > 0
    rmax = jnp.max(jnp.where(pm, row_idx, -1), axis=(1, 2))
    rmin = jnp.min(jnp.where(pm, row_idx, H + W), axis=(1, 2))
    cmax = jnp.max(jnp.where(pm, col_idx, -1), axis=(1, 2))
    cmin = jnp.min(jnp.where(pm, col_idx, H + W), axis=(1, 2))
    height_range = jnp.where(has_plaque, (rmax - rmin).astype(jnp.float32), 0.0)
    width_range = jnp.where(has_plaque, (cmax - cmin).astype(jnp.float32), 0.0)
    perimeter = jnp.where(has_plaque, 2.0 * (height_range + width_range), 0.0)

    mean_plaque_conf = jnp.where(has_plaque, plaque_conf_weighted / (plaque_area + 1e-06), 0.0)
    fg_ratio = fg_area / float(H * W)
    plaque_area_ratio = plaque_area / float(H * W)

    features = jnp.stack([
        plaque_ratio,
        plaque_ratio_fg,
        plaque_conf_weighted,
        height_range / float(H),
        width_range / float(W),
        perimeter / float(H + W),
        vessel_conf_weighted,
        mean_plaque_conf,
        fg_ratio,
        plaque_area_ratio,
    ], axis=1)
    return features.astype(jnp.float32)

if __name__ == "__main__":
    import jax
    _d = setup_inputs()
    print(jax.jit(kernel)(*tuple(_d.values())))

</pallas_src>

<mosaic_0001>
#map = affine_map<(d0, d1) -> (0, 0, 0, 0)>
#map1 = affine_map<(d0, d1) -> (0, 0)>
module attributes {stable_mosaic.version = 14 : i64} {
  func.func @_sc_body(%arg0: i32, %arg1: i32, %arg2: memref<8x3x512x512xf32, #tpu.memory_space<hbm>>, %arg3: memref<8x16xf32, #tpu.memory_space<hbm>>, %arg4: memref<2x3x16x512xf32, #tpu.memory_space<vmem>>, %arg5: memref<8x16xf32, #tpu.memory_space<vmem>>, %arg6: memref<4x8x16xf32, #tpu.memory_space<vmem>>, %arg7: memref<16xf32, #tpu.memory_space<vmem>>, %arg8: memref<16x8x16xf32, #tpu.memory_space<vmem_shared>>, %arg9: memref<!tpu.dma_semaphore, #tpu.memory_space<semaphore_mem>>, %arg10: memref<!tpu.dma_semaphore, #tpu.memory_space<semaphore_mem>>) attributes {dimension_semantics = [#tpu.dimension_semantics<core_parallel>, #tpu.dimension_semantics<subcore_parallel>], iteration_bounds = array<i64: 2, 16>, scalar_prefetch = 0 : i64, scratch_operands = 7 : i64, tpu.core_type = #tpu.core_type<sc_vector_subcore>, window_params = [{transform_indices = #map}, {transform_indices = #map1}]} {
    %jit3A = arith.constant 4 : i32
    %div3A = arith.divsi %arg1, %jit3A : i32
    %sign3A = arith.constant 0 : i32
    %sign3A_0 = arith.cmpi sgt, %arg1, %sign3A : i32
    %sign3A_1 = arith.extui %sign3A_0 : i1 to i32
    %sign3A_2 = arith.constant 0 : i32
    %sign3A_3 = arith.cmpi slt, %arg1, %sign3A_2 : i32
    %sign3A_4 = arith.extui %sign3A_3 : i1 to i32
    %sign3A_5 = arith.subi %sign3A_1, %sign3A_4 : i32
    %sign3A_6 = arith.constant 0 : i32
    %sign3A_7 = arith.cmpi sgt, %jit3A, %sign3A_6 : i32
    %sign3A_8 = arith.extui %sign3A_7 : i1 to i32
    %sign3A_9 = arith.constant 0 : i32
    %sign3A_10 = arith.cmpi slt, %jit3A, %sign3A_9 : i32
    %sign3A_11 = arith.extui %sign3A_10 : i1 to i32
    %sign3A_12 = arith.subi %sign3A_8, %sign3A_11 : i32
    %ne3A = arith.cmpi ne, %sign3A_5, %sign3A_12 : i32
    %rem3A = arith.remsi %arg1, %jit3A : i32
    %ne3A_13 = arith.constant 0 : i32
    %ne3A_14 = arith.cmpi ne, %rem3A, %ne3A_13 : i32
    %and3A = arith.andi %ne3A, %ne3A_14 : i1
    %sub3A = arith.constant 1 : i32
    %sub3A_15 = arith.subi %div3A, %sub3A : i32
    %select_n3A = arith.select %and3A, %sub3A_15, %div3A : i32
    %jit3A_16 = arith.constant 4 : i32
    %eq3A = arith.constant 0 : i32
    %eq3A_17 = arith.cmpi eq, %jit3A_16, %eq3A : i32
    %jit3A_18 = arith.constant 1 : i32
    %select_n3A_19 = arith.select %eq3A_17, %jit3A_18, %jit3A_16 : i32
    %rem3A_20 = arith.remsi %arg1, %select_n3A_19 : i32
    %ne3A_21 = arith.constant 0 : i32
    %ne3A_22 = arith.cmpi ne, %rem3A_20, %ne3A_21 : i32
    %lt3A = arith.constant 0 : i32
    %lt3A_23 = arith.cmpi slt, %rem3A_20, %lt3A : i32
    %lt3A_24 = arith.constant 0 : i32
    %lt3A_25 = arith.cmpi slt, %select_n3A_19, %lt3A_24 : i32
    %ne3A_26 = arith.xori %lt3A_23, %lt3A_25 : i1
    %and3A_27 = arith.andi %ne3A_26, %ne3A_22 : i1
    %add3A = arith.addi %rem3A_20, %select_n3A_19 : i32
    %select_n3A_28 = arith.select %and3A_27, %add3A, %rem3A_20 : i32
    %mul3A = arith.constant 4 : i32
    %mul3A_29 = arith.muli %arg0, %mul3A : i32
    %add3A_30 = arith.addi %mul3A_29, %select_n3A : i32
    %mul3A_31 = arith.constant 128 : i32
    %mul3A_32 = arith.muli %select_n3A_28, %mul3A_31 : i32
    %iota3A = tpu.iota {dimensions = array<i32: 0>} : vector<16xi32>
    %convert_element_type3A = arith.sitofp %iota3A : vector<16xi32> to vector<16xf32>
    %broadcast_in_dim3A = arith.constant 0.000000e+00 : f32
    %broadcast_in_dim3A_33 = vector.broadcast %broadcast_in_dim3A : f32 to vector<16xf32>
    %broadcast_in_dim3A_34 = arith.constant 1.000000e+00 : f32
    %broadcast_in_dim3A_35 = vector.broadcast %broadcast_in_dim3A_34 : f32 to vector<16xf32>
    %broadcast_in_dim3A_36 = arith.constant 1.024000e+03 : f32
    %broadcast_in_dim3A_37 = vector.broadcast %broadcast_in_dim3A_36 : f32 to vector<16xf32>
    %broadcast_in_dim3A_38 = arith.constant -1.000000e+00 : f32
    %broadcast_in_dim3A_39 = vector.broadcast %broadcast_in_dim3A_38 : f32 to vector<16xf32>
    %broadcast_in_dim3A_40 = arith.constant 0 : i32
    %broadcast_in_dim3A_41 = vector.broadcast %broadcast_in_dim3A_40 : i32 to vector<16xi32>
    %broadcast_in_dim3A_42 = arith.constant 1 : i32
    %broadcast_in_dim3A_43 = vector.broadcast %broadcast_in_dim3A_42 : i32 to vector<16xi32>
    %broadcast_in_dim3A_44 = arith.constant 0 : i32
    %broadcast_in_dim3A_45 = vector.broadcast %broadcast_in_dim3A_44 : i32 to vector<16xi32>
    %add3A_46 = arith.constant 0 : i32
    %add3A_47 = arith.addi %mul3A_32, %add3A_46 : i32
    %dma_start3A = arith.constant 0 : i32
    %dma_start3A_48 = arith.constant 0 : i32
    %dma_start3A_49 = arith.constant 0 : i32
    %dma_start3A_50 = arith.constant 0 : i32
    %dma_start3A_51 = tpu.memref_slice %arg4[%dma_start3A, %dma_start3A_48, %dma_start3A_49, %dma_start3A_50] : memref<2x3x16x512xf32, #tpu.memory_space<vmem>> -> memref<1x3x16x512xf32, #tpu.memory_space<vmem>>
    %dma_start3A_52 = tpu.memref_squeeze %dma_start3A_51 : memref<1x3x16x512xf32, #tpu.memory_space<vmem>> -> memref<3x16x512xf32, #tpu.memory_space<vmem>>
    %dma_start3A_53 = arith.constant 0 : i32
    %dma_start3A_54 = arith.constant 0 : i32
    %dma_start3A_55 = tpu.memref_slice %arg2[%add3A_30, %dma_start3A_53, %add3A_47, %dma_start3A_54] : memref<8x3x512x512xf32, #tpu.memory_space<hbm>> -> memref<1x3x16x512xf32, #tpu.memory_space<hbm>>
    %dma_start3A_56 = tpu.memref_squeeze %dma_start3A_55 : memref<1x3x16x512xf32, #tpu.memory_space<hbm>> -> memref<3x16x512xf32, #tpu.memory_space<hbm>>
    %dma_start3A_57 = arith.constant 0 : i32
    %dma_start3A_58 = arith.constant 0 : i32
    %dma_start3A_59 = arith.constant 0 : i32
    %dma_start3A_60 = tpu.memref_slice %arg4[%dma_start3A, %dma_start3A_57, %dma_start3A_58, %dma_start3A_59] : memref<2x3x16x512xf32, #tpu.memory_space<vmem>> -> memref<1x3x16x512xf32, #tpu.memory_space<vmem>>
    %dma_start3A_61 = tpu.memref_squeeze %dma_start3A_60 : memref<1x3x16x512xf32, #tpu.memory_space<vmem>> -> memref<3x16x512xf32, #tpu.memory_space<vmem>>
    %dma_start3A_62 = arith.constant 0 : i32
    %dma_start3A_63 = arith.constant 0 : i32
    %dma_start3A_64 = tpu.memref_slice %arg2[%add3A_30, %dma_start3A_62, %add3A_47, %dma_start3A_63] : memref<8x3x512x512xf32, #tpu.memory_space<hbm>> -> memref<1x3x16x512xf32, #tpu.memory_space<hbm>>
    %dma_start3A_65 = tpu.memref_squeeze %dma_start3A_64 : memref<1x3x16x512xf32, #tpu.memory_space<hbm>> -> memref<3x16x512xf32, #tpu.memory_space<hbm>>
    tpu.enqueue_dma source(%dma_start3A_65 : memref<3x16x512xf32, #tpu.memory_space<hbm>>) target(%dma_start3A_61 : memref<3x16x512xf32, #tpu.memory_space<vmem>>) target_semaphore(%arg9 : memref<!tpu.dma_semaphore, #tpu.memory_space<semaphore_mem>>)
    %scan3A = arith.constant 0 : i32
    %scan3A_66 = arith.constant 4 : i32
    %scan3A_67 = arith.addi %scan3A, %scan3A_66 : i32
    %scan3A_68 = arith.constant 1 : i32
    %scan3A_69:10 = scf.for %scan3A_117 = %scan3A to %scan3A_67 step %scan3A_68 iter_args(%scan3A_118 = %broadcast_in_dim3A_45, %scan3A_119 = %broadcast_in_dim3A_45, %scan3A_120 = %broadcast_in_dim3A_45, %scan3A_121 = %broadcast_in_dim3A_45, %scan3A_122 = %broadcast_in_dim3A_45, %scan3A_123 = %broadcast_in_dim3A_33, %scan3A_124 = %broadcast_in_dim3A_33, %scan3A_125 = %broadcast_in_dim3A_41, %scan3A_126 = %broadcast_in_dim3A_37, %scan3A_127 = %broadcast_in_dim3A_39) -> (vector<16xi32>, vector<16xi32>, vector<16xi32>, vector<16xi32>, vector<16xi32>, vector<16xf32>, vector<16xf32>, vector<16xi32>, vector<16xf32>, vector<16xf32>)  : i32 {
      %mul3A_128 = arith.constant 2 : i32
      %mul3A_129 = arith.muli %mul3A_128, %scan3A_117 : i32
      %add3A_130 = arith.constant 1 : i32
      %add3A_131 = arith.addi %mul3A_129, %add3A_130 : i32
      %mul3A_132 = arith.constant 16 : i32
      %mul3A_133 = arith.muli %add3A_131, %mul3A_132 : i32
      %add3A_134 = arith.addi %mul3A_32, %mul3A_133 : i32
      %dma_start3A_135 = arith.constant 1 : i32
      %dma_start3A_136 = arith.constant 0 : i32
      %dma_start3A_137 = arith.constant 0 : i32
      %dma_start3A_138 = arith.constant 0 : i32
      %dma_start3A_139 = tpu.memref_slice %arg4[%dma_start3A_135, %dma_start3A_136, %dma_start3A_137, %dma_start3A_138] : memref<2x3x16x512xf32, #tpu.memory_space<vmem>> -> memref<1x3x16x512xf32, #tpu.memory_space<vmem>>
      %dma_start3A_140 = tpu.memref_squeeze %dma_start3A_139 : memref<1x3x16x512xf32, #tpu.memory_space<vmem>> -> memref<3x16x512xf32, #tpu.memory_space<vmem>>
      %dma_start3A_141 = arith.constant 0 : i32
      %dma_start3A_142 = arith.constant 0 : i32
      %dma_start3A_143 = tpu.memref_slice %arg2[%add3A_30, %dma_start3A_141, %add3A_134, %dma_start3A_142] : memref<8x3x512x512xf32, #tpu.memory_space<hbm>> -> memref<1x3x16x512xf32, #tpu.memory_space<hbm>>
      %dma_start3A_144 = tpu.memref_squeeze %dma_start3A_143 : memref<1x3x16x512xf32, #tpu.memory_space<hbm>> -> memref<3x16x512xf32, #tpu.memory_space<hbm>>
      %dma_start3A_145 = arith.constant 0 : i32
      %dma_start3A_146 = arith.constant 0 : i32
      %dma_start3A_147 = arith.constant 0 : i32
      %dma_start3A_148 = tpu.memref_slice %arg4[%dma_start3A_135, %dma_start3A_145, %dma_start3A_146, %dma_start3A_147] : memref<2x3x16x512xf32, #tpu.memory_space<vmem>> -> memref<1x3x16x512xf32, #tpu.memory_space<vmem>>
      %dma_start3A_149 = tpu.memref_squeeze %dma_start3A_148 : memref<1x3x16x512xf32, #tpu.memory_space<vmem>> -> memref<3x16x512xf32, #tpu.memory_space<vmem>>
      %dma_start3A_150 = arith.constant 0 : i32
      %dma_start3A_151 = arith.constant 0 : i32
      %dma_start3A_152 = tpu.memref_slice %arg2[%add3A_30, %dma_start3A_150, %add3A_134, %dma_start3A_151] : memref<8x3x512x512xf32, #tpu.memory_space<hbm>> -> memref<1x3x16x512xf32, #tpu.memory_space<hbm>>
      %dma_start3A_153 = tpu.memref_squeeze %dma_start3A_152 : memref<1x3x16x512xf32, #tpu.memory_space<hbm>> -> memref<3x16x512xf32, #tpu.memory_space<hbm>>
      tpu.enqueue_dma source(%dma_start3A_153 : memref<3x16x512xf32, #tpu.memory_space<hbm>>) target(%dma_start3A_149 : memref<3x16x512xf32, #tpu.memory_space<vmem>>) target_semaphore(%arg10 : memref<!tpu.dma_semaphore, #tpu.memory_space<semaphore_mem>>)
      %mul3A_154 = arith.constant 16 : i32
      %mul3A_155 = arith.muli %mul3A_129, %mul3A_154 : i32
      %add3A_156 = arith.addi %mul3A_32, %mul3A_155 : i32
      %dma_wait3A = arith.constant 0 : i32
      %dma_wait3A_157 = arith.constant 0 : i32
      %dma_wait3A_158 = arith.constant 0 : i32
      %dma_wait3A_159 = arith.constant 0 : i32
      %dma_wait3A_160 = tpu.memref_slice %arg4[%dma_wait3A, %dma_wait3A_157, %dma_wait3A_158, %dma_wait3A_159] : memref<2x3x16x512xf32, #tpu.memory_space<vmem>> -> memref<1x3x16x512xf32, #tpu.memory_space<vmem>>
      %dma_wait3A_161 = tpu.memref_squeeze %dma_wait3A_160 : memref<1x3x16x512xf32, #tpu.memory_space<vmem>> -> memref<3x16x512xf32, #tpu.memory_space<vmem>>
      %dma_wait3A_162 = arith.constant 0 : i32
      %dma_wait3A_163 = arith.constant 0 : i32
      %dma_wait3A_164 = tpu.memref_slice %arg2[%add3A_30, %dma_wait3A_162, %add3A_156, %dma_wait3A_163] : memref<8x3x512x512xf32, #tpu.memory_space<hbm>> -> memref<1x3x16x512xf32, #tpu.memory_space<hbm>>
      %dma_wait3A_165 = tpu.memref_squeeze %dma_wait3A_164 : memref<1x3x16x512xf32, #tpu.memory_space<hbm>> -> memref<3x16x512xf32, #tpu.memory_space<hbm>>
      %dma_wait3A_166 = arith.constant 0 : i32
      %dma_wait3A_167 = arith.constant 0 : i32
      %dma_wait3A_168 = arith.constant 0 : i32
      %dma_wait3A_169 = tpu.memref_slice %arg4[%dma_wait3A, %dma_wait3A_166, %dma_wait3A_167, %dma_wait3A_168] : memref<2x3x16x512xf32, #tpu.memory_space<vmem>> -> memref<1x3x16x512xf32, #tpu.memory_space<vmem>>
      %dma_wait3A_170 = tpu.memref_squeeze %dma_wait3A_169 : memref<1x3x16x512xf32, #tpu.memory_space<vmem>> -> memref<3x16x512xf32, #tpu.memory_space<vmem>>
      %dma_wait3A_171 = arith.constant 0 : i32
      %dma_wait3A_172 = arith.constant 0 : i32
      %dma_wait3A_173 = tpu.memref_slice %arg2[%add3A_30, %dma_wait3A_171, %add3A_156, %dma_wait3A_172] : memref<8x3x512x512xf32, #tpu.memory_space<hbm>> -> memref<1x3x16x512xf32, #tpu.memory_space<hbm>>
      %dma_wait3A_174 = tpu.memref_squeeze %dma_wait3A_173 : memref<1x3x16x512xf32, #tpu.memory_space<hbm>> -> memref<3x16x512xf32, #tpu.memory_space<hbm>>
      tpu.wait_dma2 semaphore(%arg9 : memref<!tpu.dma_semaphore, #tpu.memory_space<semaphore_mem>>) src(%dma_wait3A_174 : memref<3x16x512xf32, #tpu.memory_space<hbm>>) dst(%dma_wait3A_170 : memref<3x16x512xf32, #tpu.memory_space<vmem>>)
      %scan3A_175 = arith.constant 0 : i32
      %scan3A_176 = arith.constant 4 : i32
      %scan3A_177 = arith.addi %scan3A_175, %scan3A_176 : i32
      %scan3A_178 = arith.constant 1 : i32
      %scan3A_179:10 = scf.for %scan3A_218 = %scan3A_175 to %scan3A_177 step %scan3A_178 iter_args(%scan3A_219 = %scan3A_118, %scan3A_220 = %scan3A_119, %scan3A_221 = %scan3A_120, %scan3A_222 = %scan3A_121, %scan3A_223 = %scan3A_122, %scan3A_224 = %scan3A_123, %scan3A_225 = %scan3A_124, %scan3A_226 = %scan3A_125, %scan3A_227 = %scan3A_126, %scan3A_228 = %scan3A_127) -> (vector<16xi32>, vector<16xi32>, vector<16xi32>, vector<16xi32>, vector<16xi32>, vector<16xf32>, vector<16xf32>, vector<16xi32>, vector<16xf32>, vector<16xf32>)  : i32 {
        %scan3A_229 = arith.constant 0 : i32
        %scan3A_230 = arith.constant 32 : i32
        %scan3A_231 = arith.addi %scan3A_229, %scan3A_230 : i32
        %scan3A_232 = arith.constant 1 : i32
        %scan3A_233:9 = scf.for %scan3A_296 = %scan3A_229 to %scan3A_231 step %scan3A_232 iter_args(%scan3A_297 = %scan3A_219, %scan3A_298 = %scan3A_220, %scan3A_299 = %scan3A_221, %scan3A_300 = %scan3A_222, %scan3A_301 = %scan3A_223, %scan3A_302 = %scan3A_224, %scan3A_303 = %scan3A_225, %scan3A_304 = %scan3A_226, %scan3A_305 = %broadcast_in_dim3A_43) -> (vector<16xi32>, vector<16xi32>, vector<16xi32>, vector<16xi32>, vector<16xi32>, vector<16xf32>, vector<16xf32>, vector<16xi32>, vector<16xi32>)  : i32 {
          %mul3A_306 = arith.constant 4 : i32
          %mul3A_307 = arith.muli %mul3A_306, %scan3A_218 : i32
          %add3A_308 = arith.constant 0 : i32
          %add3A_309 = arith.addi %mul3A_307, %add3A_308 : i32
          %mul3A_310 = arith.constant 16 : i32
          %mul3A_311 = arith.muli %scan3A_296, %mul3A_310 : i32
          %get3A = arith.constant 0 : i32
          %get3A_312 = arith.constant 0 : i32
          %get3A_313 = arith.index_cast %get3A : i32 to index
          %get3A_314 = arith.index_cast %get3A_312 : i32 to index
          %get3A_315 = arith.index_cast %add3A_309 : i32 to index
          %get3A_316 = arith.index_cast %mul3A_311 : i32 to index
          %get3A_317 = tpu.vector_load %arg4[%get3A_313, %get3A_314, %get3A_315, %get3A_316] {strides = array<i32>} : memref<2x3x16x512xf32, #tpu.memory_space<vmem>>, vector<16xf32>,
          %mul3A_318 = arith.constant 16 : i32
          %mul3A_319 = arith.muli %scan3A_296, %mul3A_318 : i32
          %get3A_320 = arith.constant 0 : i32
          %get3A_321 = arith.constant 1 : i32
          %get3A_322 = arith.index_cast %get3A_320 : i32 to index
          %get3A_323 = arith.index_cast %get3A_321 : i32 to index
          %get3A_324 = arith.index_cast %add3A_309 : i32 to index
          %get3A_325 = arith.index_cast %mul3A_319 : i32 to index
          %get3A_326 = tpu.vector_load %arg4[%get3A_322, %get3A_323, %get3A_324, %get3A_325] {strides = array<i32>} : memref<2x3x16x512xf32, #tpu.memory_space<vmem>>, vector<16xf32>,
          %mul3A_327 = arith.constant 16 : i32
          %mul3A_328 = arith.muli %scan3A_296, %mul3A_327 : i32
          %get3A_329 = arith.constant 0 : i32
          %get3A_330 = arith.constant 2 : i32
          %get3A_331 = arith.index_cast %get3A_329 : i32 to index
          %get3A_332 = arith.index_cast %get3A_330 : i32 to index
          %get3A_333 = arith.index_cast %add3A_309 : i32 to index
          %get3A_334 = arith.index_cast %mul3A_328 : i32 to index
          %get3A_335 = tpu.vector_load %arg4[%get3A_331, %get3A_332, %get3A_333, %get3A_334] {strides = array<i32>} : memref<2x3x16x512xf32, #tpu.memory_space<vmem>>, vector<16xf32>,
          %sub3A_336 = arith.subf %get3A_326, %get3A_317 : vector<16xf32>
          %sub3A_337 = arith.subf %get3A_335, %get3A_317 : vector<16xf32>
          %exp3A = math.exp %sub3A_336 : vector<16xf32>
          %exp3A_338 = math.exp %sub3A_337 : vector<16xf32>
          %add3A_339 = arith.constant 1.000000e+00 : f32
          %add3A_340 = vector.broadcast %add3A_339 : f32 to vector<16xf32>
          %add3A_341 = arith.addf %add3A_340, %exp3A : vector<16xf32>
          %add3A_342 = arith.addf %add3A_341, %exp3A_338 : vector<16xf32>
          %div3A_343 = arith.constant 1.000000e+00 : f32
          %div3A_344 = vector.broadcast %div3A_343 : f32 to vector<16xf32>
          %div3A_345 = arith.divf %div3A_344, %add3A_342 : vector<16xf32>
          %max3A_346 = arith.maximumf %get3A_326, %get3A_335 : vector<16xf32>
          %gt3A_347 = arith.cmpf ogt, %max3A_346, %get3A_317 : vector<16xf32>
          %ge3A = arith.cmpf oge, %get3A_326, %get3A_335 : vector<16xf32>
          %and3A_348 = arith.andi %gt3A_347, %ge3A : vector<16xi1>
          %xor3A = arith.xori %gt3A_347, %and3A_348 : vector<16xi1>
          %all_reduce_population_count3A = tpu.all_reduce %and3A_348 {dim = 0 : i64, kind = #tpu.reduction_kind<sum>} : vector<16xi1> -> vector<16xi32>
          %add3A_349 = arith.addi %scan3A_297, %all_reduce_population_count3A : vector<16xi32>
          %all_reduce_population_count3A_350 = tpu.all_reduce %xor3A {dim = 0 : i64, kind = #tpu.reduction_kind<sum>} : vector<16xi1> -> vector<16xi32>
          %add3A_351 = arith.addi %scan3A_301, %all_reduce_population_count3A_350 : vector<16xi32>
          %mul3A_352 = arith.mulf %exp3A, %div3A_345 : vector<16xf32>
          %select_n3A_353 = arith.select %and3A_348, %mul3A_352, %broadcast_in_dim3A_33 : vector<16xi1>, vector<16xf32>
          %add3A_354 = arith.addf %scan3A_302, %select_n3A_353 : vector<16xf32>
          %mul3A_355 = arith.mulf %exp3A_338, %div3A_345 : vector<16xf32>
          %select_n3A_356 = arith.select %xor3A, %mul3A_355, %broadcast_in_dim3A_33 : vector<16xi1>, vector<16xf32>
          %add3A_357 = arith.addf %scan3A_303, %select_n3A_356 : vector<16xf32>
          %select_n3A_358 = arith.select %and3A_348, %scan3A_305, %broadcast_in_dim3A_41 : vector<16xi1>, vector<16xi32>
          %or3A = arith.ori %scan3A_304, %select_n3A_358 : vector<16xi32>
          %mul3A_359 = arith.constant 4 : i32
          %mul3A_360 = arith.muli %mul3A_359, %scan3A_218 : i32
          %add3A_361 = arith.constant 1 : i32
          %add3A_362 = arith.addi %mul3A_360, %add3A_361 : i32
          %mul3A_363 = arith.constant 16 : i32
          %mul3A_364 = arith.muli %scan3A_296, %mul3A_363 : i32
          %get3A_365 = arith.constant 0 : i32
          %get3A_366 = arith.constant 0 : i32
          %get3A_367 = arith.index_cast %get3A_365 : i32 to index
          %get3A_368 = arith.index_cast %get3A_366 : i32 to index
          %get3A_369 = arith.index_cast %add3A_362 : i32 to index
          %get3A_370 = arith.index_cast %mul3A_364 : i32 to index
          %get3A_371 = tpu.vector_load %arg4[%get3A_367, %get3A_368, %get3A_369, %get3A_370] {strides = array<i32>} : memref<2x3x16x512xf32, #tpu.memory_space<vmem>>, vector<16xf32>,
          %mul3A_372 = arith.constant 16 : i32
          %mul3A_373 = arith.muli %scan3A_296, %mul3A_372 : i32
          %get3A_374 = arith.constant 0 : i32
          %get3A_375 = arith.constant 1 : i32
          %get3A_376 = arith.index_cast %get3A_374 : i32 to index
          %get3A_377 = arith.index_cast %get3A_375 : i32 to index
          %get3A_378 = arith.index_cast %add3A_362 : i32 to index
          %get3A_379 = arith.index_cast %mul3A_373 : i32 to index
          %get3A_380 = tpu.vector_load %arg4[%get3A_376, %get3A_377, %get3A_378, %get3A_379] {strides = array<i32>} : memref<2x3x16x512xf32, #tpu.memory_space<vmem>>, vector<16xf32>,
          %mul3A_381 = arith.constant 16 : i32
          %mul3A_382 = arith.muli %scan3A_296, %mul3A_381 : i32
          %get3A_383 = arith.constant 0 : i32
          %get3A_384 = arith.constant 2 : i32
          %get3A_385 = arith.index_cast %get3A_383 : i32 to index
          %get3A_386 = arith.index_cast %get3A_384 : i32 to index
          %get3A_387 = arith.index_cast %add3A_362 : i32 to index
          %get3A_388 = arith.index_cast %mul3A_382 : i32 to index
          %get3A_389 = tpu.vector_load %arg4[%get3A_385, %get3A_386, %get3A_387, %get3A_388] {strides = array<i32>} : memref<2x3x16x512xf32, #tpu.memory_space<vmem>>, vector<16xf32>,
          %sub3A_390 = arith.subf %get3A_380, %get3A_371 : vector<16xf32>
          %sub3A_391 = arith.subf %get3A_389, %get3A_371 : vector<16xf32>
          %exp3A_392 = math.exp %sub3A_390 : vector<16xf32>
          %exp3A_393 = math.exp %sub3A_391 : vector<16xf32>
          %add3A_394 = arith.constant 1.000000e+00 : f32
          %add3A_395 = vector.broadcast %add3A_394 : f32 to vector<16xf32>
          %add3A_396 = arith.addf %add3A_395, %exp3A_392 : vector<16xf32>
          %add3A_397 = arith.addf %add3A_396, %exp3A_393 : vector<16xf32>
          %div3A_398 = arith.constant 1.000000e+00 : f32
          %div3A_399 = vector.broadcast %div3A_398 : f32 to vector<16xf32>
          %div3A_400 = arith.divf %div3A_399, %add3A_397 : vector<16xf32>
          %max3A_401 = arith.maximumf %get3A_380, %get3A_389 : vector<16xf32>
          %gt3A_402 = arith.cmpf ogt, %max3A_401, %get3A_371 : vector<16xf32>
          %ge3A_403 = arith.cmpf oge, %get3A_380, %get3A_389 : vector<16xf32>
          %and3A_404 = arith.andi %gt3A_402, %ge3A_403 : vector<16xi1>
          %xor3A_405 = arith.xori %gt3A_402, %and3A_404 : vector<16xi1>
          %all_reduce_population_count3A_406 = tpu.all_reduce %and3A_404 {dim = 0 : i64, kind = #tpu.reduction_kind<sum>} : vector<16xi1> -> vector<16xi32>
          %add3A_407 = arith.addi %scan3A_298, %all_reduce_population_count3A_406 : vector<16xi32>
          %all_reduce_population_count3A_408 = tpu.all_reduce %xor3A_405 {dim = 0 : i64, kind = #tpu.reduction_kind<sum>} : vector<16xi1> -> vector<16xi32>
          %add3A_409 = arith.addi %add3A_351, %all_reduce_population_count3A_408 : vector<16xi32>
          %mul3A_410 = arith.mulf %exp3A_392, %div3A_400 : vector<16xf32>
          %select_n3A_411 = arith.select %and3A_404, %mul3A_410, %broadcast_in_dim3A_33 : vector<16xi1>, vector<16xf32>
          %add3A_412 = arith.addf %add3A_354, %select_n3A_411 : vector<16xf32>
          %mul3A_413 = arith.mulf %exp3A_393, %div3A_400 : vector<16xf32>
          %select_n3A_414 = arith.select %xor3A_405, %mul3A_413, %broadcast_in_dim3A_33 : vector<16xi1>, vector<16xf32>
          %add3A_415 = arith.addf %add3A_357, %select_n3A_414 : vector<16xf32>
          %select_n3A_416 = arith.select %and3A_404, %scan3A_305, %broadcast_in_dim3A_41 : vector<16xi1>, vector<16xi32>
          %or3A_417 = arith.ori %or3A, %select_n3A_416 : vector<16xi32>
          %mul3A_418 = arith.constant 4 : i32
          %mul3A_419 = arith.muli %mul3A_418, %scan3A_218 : i32
          %add3A_420 = arith.constant 2 : i32
          %add3A_421 = arith.addi %mul3A_419, %add3A_420 : i32
          %mul3A_422 = arith.constant 16 : i32
          %mul3A_423 = arith.muli %scan3A_296, %mul3A_422 : i32
          %get3A_424 = arith.constant 0 : i32
          %get3A_425 = arith.constant 0 : i32
          %get3A_426 = arith.index_cast %get3A_424 : i32 to index
          %get3A_427 = arith.index_cast %get3A_425 : i32 to index
          %get3A_428 = arith.index_cast %add3A_421 : i32 to index
          %get3A_429 = arith.index_cast %mul3A_423 : i32 to index
          %get3A_430 = tpu.vector_load %arg4[%get3A_426, %get3A_427, %get3A_428, %get3A_429] {strides = array<i32>} : memref<2x3x16x512xf32, #tpu.memory_space<vmem>>, vector<16xf32>,
          %mul3A_431 = arith.constant 16 : i32
          %mul3A_432 = arith.muli %scan3A_296, %mul3A_431 : i32
          %get3A_433 = arith.constant 0 : i32
          %get3A_434 = arith.constant 1 : i32
          %get3A_435 = arith.index_cast %get3A_433 : i32 to index
          %get3A_436 = arith.index_cast %get3A_434 : i32 to index
          %get3A_437 = arith.index_cast %add3A_421 : i32 to index
          %get3A_438 = arith.index_cast %mul3A_432 : i32 to index
          %get3A_439 = tpu.vector_load %arg4[%get3A_435, %get3A_436, %get3A_437, %get3A_438] {strides = array<i32>} : memref<2x3x16x512xf32, #tpu.memory_space<vmem>>, vector<16xf32>,
          %mul3A_440 = arith.constant 16 : i32
          %mul3A_441 = arith.muli %scan3A_296, %mul3A_440 : i32
          %get3A_442 = arith.constant 0 : i32
          %get3A_443 = arith.constant 2 : i32
          %get3A_444 = arith.index_cast %get3A_442 : i32 to index
          %get3A_445 = arith.index_cast %get3A_443 : i32 to index
          %get3A_446 = arith.index_cast %add3A_421 : i32 to index
          %get3A_447 = arith.index_cast %mul3A_441 : i32 to index
          %get3A_448 = tpu.vector_load %arg4[%get3A_444, %get3A_445, %get3A_446, %get3A_447] {strides = array<i32>} : memref<2x3x16x512xf32, #tpu.memory_space<vmem>>, vector<16xf32>,
          %sub3A_449 = arith.subf %get3A_439, %get3A_430 : vector<16xf32>
          %sub3A_450 = arith.subf %get3A_448, %get3A_430 : vector<16xf32>
          %exp3A_451 = math.exp %sub3A_449 : vector<16xf32>
          %exp3A_452 = math.exp %sub3A_450 : vector<16xf32>
          %add3A_453 = arith.constant 1.000000e+00 : f32
          %add3A_454 = vector.broadcast %add3A_453 : f32 to vector<16xf32>
          %add3A_455 = arith.addf %add3A_454, %exp3A_451 : vector<16xf32>
          %add3A_456 = arith.addf %add3A_455, %exp3A_452 : vector<16xf32>
          %div3A_457 = arith.constant 1.000000e+00 : f32
          %div3A_458 = vector.broadcast %div3A_457 : f32 to vector<16xf32>
          %div3A_459 = arith.divf %div3A_458, %add3A_456 : vector<16xf32>
          %max3A_460 = arith.maximumf %get3A_439, %get3A_448 : vector<16xf32>
          %gt3A_461 = arith.cmpf ogt, %max3A_460, %get3A_430 : vector<16xf32>
          %ge3A_462 = arith.cmpf oge, %get3A_439, %get3A_448 : vector<16xf32>
          %and3A_463 = arith.andi %gt3A_461, %ge3A_462 : vector<16xi1>
          %xor3A_464 = arith.xori %gt3A_461, %and3A_463 : vector<16xi1>
          %all_reduce_population_count3A_465 = tpu.all_reduce %and3A_463 {dim = 0 : i64, kind = #tpu.reduction_kind<sum>} : vector<16xi1> -> vector<16xi32>
          %add3A_466 = arith.addi %scan3A_299, %all_reduce_population_count3A_465 : vector<16xi32>
          %all_reduce_population_count3A_467 = tpu.all_reduce %xor3A_464 {dim = 0 : i64, kind = #tpu.reduction_kind<sum>} : vector<16xi1> -> vector<16xi32>
          %add3A_468 = arith.addi %add3A_409, %all_reduce_population_count3A_467 : vector<16xi32>
          %mul3A_469 = arith.mulf %exp3A_451, %div3A_459 : vector<16xf32>
          %select_n3A_470 = arith.select %and3A_463, %mul3A_469, %broadcast_in_dim3A_33 : vector<16xi1>, vector<16xf32>
          %add3A_471 = arith.addf %add3A_412, %select_n3A_470 : vector<16xf32>
          %mul3A_472 = arith.mulf %exp3A_452, %div3A_459 : vector<16xf32>
          %select_n3A_473 = arith.select %xor3A_464, %mul3A_472, %broadcast_in_dim3A_33 : vector<16xi1>, vector<16xf32>
          %add3A_474 = arith.addf %add3A_415, %select_n3A_473 : vector<16xf32>
          %select_n3A_475 = arith.select %and3A_463, %scan3A_305, %broadcast_in_dim3A_41 : vector<16xi1>, vector<16xi32>
          %or3A_476 = arith.ori %or3A_417, %select_n3A_475 : vector<16xi32>
          %mul3A_477 = arith.constant 4 : i32
          %mul3A_478 = arith.muli %mul3A_477, %scan3A_218 : i32
          %add3A_479 = arith.constant 3 : i32
          %add3A_480 = arith.addi %mul3A_478, %add3A_479 : i32
          %mul3A_481 = arith.constant 16 : i32
          %mul3A_482 = arith.muli %scan3A_296, %mul3A_481 : i32
          %get3A_483 = arith.constant 0 : i32
          %get3A_484 = arith.constant 0 : i32
          %get3A_485 = arith.index_cast %get3A_483 : i32 to index
          %get3A_486 = arith.index_cast %get3A_484 : i32 to index
          %get3A_487 = arith.index_cast %add3A_480 : i32 to index
          %get3A_488 = arith.index_cast %mul3A_482 : i32 to index
          %get3A_489 = tpu.vector_load %arg4[%get3A_485, %get3A_486, %get3A_487, %get3A_488] {strides = array<i32>} : memref<2x3x16x512xf32, #tpu.memory_space<vmem>>, vector<16xf32>,
          %mul3A_490 = arith.constant 16 : i32
          %mul3A_491 = arith.muli %scan3A_296, %mul3A_490 : i32
          %get3A_492 = arith.constant 0 : i32
          %get3A_493 = arith.constant 1 : i32
          %get3A_494 = arith.index_cast %get3A_492 : i32 to index
          %get3A_495 = arith.index_cast %get3A_493 : i32 to index
          %get3A_496 = arith.index_cast %add3A_480 : i32 to index
          %get3A_497 = arith.index_cast %mul3A_491 : i32 to index
          %get3A_498 = tpu.vector_load %arg4[%get3A_494, %get3A_495, %get3A_496, %get3A_497] {strides = array<i32>} : memref<2x3x16x512xf32, #tpu.memory_space<vmem>>, vector<16xf32>,
          %mul3A_499 = arith.constant 16 : i32
          %mul3A_500 = arith.muli %scan3A_296, %mul3A_499 : i32
          %get3A_501 = arith.constant 0 : i32
          %get3A_502 = arith.constant 2 : i32
          %get3A_503 = arith.index_cast %get3A_501 : i32 to index
          %get3A_504 = arith.index_cast %get3A_502 : i32 to index
          %get3A_505 = arith.index_cast %add3A_480 : i32 to index
          %get3A_506 = arith.index_cast %mul3A_500 : i32 to index
          %get3A_507 = tpu.vector_load %arg4[%get3A_503, %get3A_504, %get3A_505, %get3A_506] {strides = array<i32>} : memref<2x3x16x512xf32, #tpu.memory_space<vmem>>, vector<16xf32>,
          %sub3A_508 = arith.subf %get3A_498, %get3A_489 : vector<16xf32>
          %sub3A_509 = arith.subf %get3A_507, %get3A_489 : vector<16xf32>
          %exp3A_510 = math.exp %sub3A_508 : vector<16xf32>
          %exp3A_511 = math.exp %sub3A_509 : vector<16xf32>
          %add3A_512 = arith.constant 1.000000e+00 : f32
          %add3A_513 = vector.broadcast %add3A_512 : f32 to vector<16xf32>
          %add3A_514 = arith.addf %add3A_513, %exp3A_510 : vector<16xf32>
          %add3A_515 = arith.addf %add3A_514, %exp3A_511 : vector<16xf32>
          %div3A_516 = arith.constant 1.000000e+00 : f32
          %div3A_517 = vector.broadcast %div3A_516 : f32 to vector<16xf32>
          %div3A_518 = arith.divf %div3A_517, %add3A_515 : vector<16xf32>
          %max3A_519 = arith.maximumf %get3A_498, %get3A_507 : vector<16xf32>
          %gt3A_520 = arith.cmpf ogt, %max3A_519, %get3A_489 : vector<16xf32>
          %ge3A_521 = arith.cmpf oge, %get3A_498, %get3A_507 : vector<16xf32>
          %and3A_522 = arith.andi %gt3A_520, %ge3A_521 : vector<16xi1>
          %xor3A_523 = arith.xori %gt3A_520, %and3A_522 : vector<16xi1>
          %all_reduce_population_count3A_524 = tpu.all_reduce %and3A_522 {dim = 0 : i64, kind = #tpu.reduction_kind<sum>} : vector<16xi1> -> vector<16xi32>
          %add3A_525 = arith.addi %scan3A_300, %all_reduce_population_count3A_524 : vector<16xi32>
          %all_reduce_population_count3A_526 = tpu.all_reduce %xor3A_523 {dim = 0 : i64, kind = #tpu.reduction_kind<sum>} : vector<16xi1> -> vector<16xi32>
          %add3A_527 = arith.addi %add3A_468, %all_reduce_population_count3A_526 : vector<16xi32>
          %mul3A_528 = arith.mulf %exp3A_510, %div3A_518 : vector<16xf32>
          %select_n3A_529 = arith.select %and3A_522, %mul3A_528, %broadcast_in_dim3A_33 : vector<16xi1>, vector<16xf32>
          %add3A_530 = arith.addf %add3A_471, %select_n3A_529 : vector<16xf32>
          %mul3A_531 = arith.mulf %exp3A_511, %div3A_518 : vector<16xf32>
          %select_n3A_532 = arith.select %xor3A_523, %mul3A_531, %broadcast_in_dim3A_33 : vector<16xi1>, vector<16xf32>
          %add3A_533 = arith.addf %add3A_474, %select_n3A_532 : vector<16xf32>
          %select_n3A_534 = arith.select %and3A_522, %scan3A_305, %broadcast_in_dim3A_41 : vector<16xi1>, vector<16xi32>
          %or3A_535 = arith.ori %or3A_476, %select_n3A_534 : vector<16xi32>
          %shift_left3A = arith.constant 1 : i32
          %shift_left3A_536 = vector.broadcast %shift_left3A : i32 to vector<16xi32>
          %shift_left3A_537 = arith.shli %scan3A_305, %shift_left3A_536 : vector<16xi32>
          scf.yield %add3A_349, %add3A_407, %add3A_466, %add3A_525, %add3A_527, %add3A_530, %add3A_533, %or3A_535, %shift_left3A_537 : vector<16xi32>, vector<16xi32>, vector<16xi32>, vector<16xi32>, vector<16xi32>, vector<16xf32>, vector<16xf32>, vector<16xi32>, vector<16xi32>
        }
        %scan3A_234 = arith.constant 32 : i32
        %mul3A_235 = arith.constant 16 : i32
        %mul3A_236 = arith.muli %mul3A_129, %mul3A_235 : i32
        %add3A_237 = arith.addi %mul3A_32, %mul3A_236 : i32
        %mul3A_238 = arith.constant 4 : i32
        %mul3A_239 = arith.muli %mul3A_238, %scan3A_218 : i32
        %add3A_240 = arith.addi %add3A_237, %mul3A_239 : i32
        %add3A_241 = arith.constant 0 : i32
        %add3A_242 = arith.addi %add3A_240, %add3A_241 : i32
        %convert_element_type3A_243 = arith.sitofp %add3A_242 : i32 to f32
        %gt3A = arith.cmpi sgt, %scan3A_233#0, %scan3A_219 : vector<16xi32>
        %broadcast_in_dim3A_244 = vector.broadcast %convert_element_type3A_243 : f32 to vector<16xf32>
        %select_n3A_245 = arith.select %gt3A, %broadcast_in_dim3A_244, %broadcast_in_dim3A_37 : vector<16xi1>, vector<16xf32>
        %min3A = arith.minimumf %scan3A_227, %select_n3A_245 : vector<16xf32>
        %broadcast_in_dim3A_246 = vector.broadcast %convert_element_type3A_243 : f32 to vector<16xf32>
        %select_n3A_247 = arith.select %gt3A, %broadcast_in_dim3A_246, %broadcast_in_dim3A_39 : vector<16xi1>, vector<16xf32>
        %max3A = arith.maximumf %scan3A_228, %select_n3A_247 : vector<16xf32>
        %mul3A_248 = arith.constant 16 : i32
        %mul3A_249 = arith.muli %mul3A_129, %mul3A_248 : i32
        %add3A_250 = arith.addi %mul3A_32, %mul3A_249 : i32
        %mul3A_251 = arith.constant 4 : i32
        %mul3A_252 = arith.muli %mul3A_251, %scan3A_218 : i32
        %add3A_253 = arith.addi %add3A_250, %mul3A_252 : i32
        %add3A_254 = arith.constant 1 : i32
        %add3A_255 = arith.addi %add3A_253, %add3A_254 : i32
        %convert_element_type3A_256 = arith.sitofp %add3A_255 : i32 to f32
        %gt3A_257 = arith.cmpi sgt, %scan3A_233#1, %scan3A_220 : vector<16xi32>
        %broadcast_in_dim3A_258 = vector.broadcast %convert_element_type3A_256 : f32 to vector<16xf32>
        %select_n3A_259 = arith.select %gt3A_257, %broadcast_in_dim3A_258, %broadcast_in_dim3A_37 : vector<16xi1>, vector<16xf32>
        %min3A_260 = arith.minimumf %min3A, %select_n3A_259 : vector<16xf32>
        %broadcast_in_dim3A_261 = vector.broadcast %convert_element_type3A_256 : f32 to vector<16xf32>
        %select_n3A_262 = arith.select %gt3A_257, %broadcast_in_dim3A_261, %broadcast_in_dim3A_39 : vector<16xi1>, vector<16xf32>
        %max3A_263 = arith.maximumf %max3A, %select_n3A_262 : vector<16xf32>
        %mul3A_264 = arith.constant 16 : i32
        %mul3A_265 = arith.muli %mul3A_129, %mul3A_264 : i32
        %add3A_266 = arith.addi %mul3A_32, %mul3A_265 : i32
        %mul3A_267 = arith.constant 4 : i32
        %mul3A_268 = arith.muli %mul3A_267, %scan3A_218 : i32
        %add3A_269 = arith.addi %add3A_266, %mul3A_268 : i32
        %add3A_270 = arith.constant 2 : i32
        %add3A_271 = arith.addi %add3A_269, %add3A_270 : i32
        %convert_element_type3A_272 = arith.sitofp %add3A_271 : i32 to f32
        %gt3A_273 = arith.cmpi sgt, %scan3A_233#2, %scan3A_221 : vector<16xi32>
        %broadcast_in_dim3A_274 = vector.broadcast %convert_element_type3A_272 : f32 to vector<16xf32>
        %select_n3A_275 = arith.select %gt3A_273, %broadcast_in_dim3A_274, %broadcast_in_dim3A_37 : vector<16xi1>, vector<16xf32>
        %min3A_276 = arith.minimumf %min3A_260, %select_n3A_275 : vector<16xf32>
        %broadcast_in_dim3A_277 = vector.broadcast %convert_element_type3A_272 : f32 to vector<16xf32>
        %select_n3A_278 = arith.select %gt3A_273, %broadcast_in_dim3A_277, %broadcast_in_dim3A_39 : vector<16xi1>, vector<16xf32>
        %max3A_279 = arith.maximumf %max3A_263, %select_n3A_278 : vector<16xf32>
        %mul3A_280 = arith.constant 16 : i32
        %mul3A_281 = arith.muli %mul3A_129, %mul3A_280 : i32
        %add3A_282 = arith.addi %mul3A_32, %mul3A_281 : i32
        %mul3A_283 = arith.constant 4 : i32
        %mul3A_284 = arith.muli %mul3A_283, %scan3A_218 : i32
        %add3A_285 = arith.addi %add3A_282, %mul3A_284 : i32
        %add3A_286 = arith.constant 3 : i32
        %add3A_287 = arith.addi %add3A_285, %add3A_286 : i32
        %convert_element_type3A_288 = arith.sitofp %add3A_287 : i32 to f32
        %gt3A_289 = arith.cmpi sgt, %scan3A_233#3, %scan3A_222 : vector<16xi32>
        %broadcast_in_dim3A_290 = vector.broadcast %convert_element_type3A_288 : f32 to vector<16xf32>
        %select_n3A_291 = arith.select %gt3A_289, %broadcast_in_dim3A_290, %broadcast_in_dim3A_37 : vector<16xi1>, vector<16xf32>
        %min3A_292 = arith.minimumf %min3A_276, %select_n3A_291 : vector<16xf32>
        %broadcast_in_dim3A_293 = vector.broadcast %convert_element_type3A_288 : f32 to vector<16xf32>
        %select_n3A_294 = arith.select %gt3A_289, %broadcast_in_dim3A_293, %broadcast_in_dim3A_39 : vector<16xi1>, vector<16xf32>
        %max3A_295 = arith.maximumf %max3A_279, %select_n3A_294 : vector<16xf32>
        scf.yield %scan3A_233#0, %scan3A_233#1, %scan3A_233#2, %scan3A_233#3, %scan3A_233#4, %scan3A_233#5, %scan3A_233#6, %scan3A_233#7, %min3A_292, %max3A_295 : vector<16xi32>, vector<16xi32>, vector<16xi32>, vector<16xi32>, vector<16xi32>, vector<16xf32>, vector<16xf32>, vector<16xi32>, vector<16xf32>, vector<16xf32>
      }
      %scan3A_180 = arith.constant 4 : i32
      %lt3A_181 = arith.constant 3 : i32
      %lt3A_182 = arith.cmpi slt, %scan3A_117, %lt3A_181 : i32
      %convert_element_type3A_183 = arith.extui %lt3A_182 : i1 to i32
      %cond3A_184 = arith.constant 0 : i32
      %cond3A_185 = arith.cmpi ne, %convert_element_type3A_183, %cond3A_184 : i32
      scf.if %cond3A_185 {
        %add3A_218 = arith.constant 2 : i32
        %add3A_219 = arith.addi %mul3A_129, %add3A_218 : i32
        %mul3A_220 = arith.constant 16 : i32
        %mul3A_221 = arith.muli %add3A_219, %mul3A_220 : i32
        %add3A_222 = arith.addi %mul3A_32, %mul3A_221 : i32
        %dma_start3A_223 = arith.constant 0 : i32
        %dma_start3A_224 = arith.constant 0 : i32
        %dma_start3A_225 = arith.constant 0 : i32
        %dma_start3A_226 = arith.constant 0 : i32
        %dma_start3A_227 = tpu.memref_slice %arg4[%dma_start3A_223, %dma_start3A_224, %dma_start3A_225, %dma_start3A_226] : memref<2x3x16x512xf32, #tpu.memory_space<vmem>> -> memref<1x3x16x512xf32, #tpu.memory_space<vmem>>
        %dma_start3A_228 = tpu.memref_squeeze %dma_start3A_227 : memref<1x3x16x512xf32, #tpu.memory_space<vmem>> -> memref<3x16x512xf32, #tpu.memory_space<vmem>>
        %dma_start3A_229 = arith.constant 0 : i32
        %dma_start3A_230 = arith.constant 0 : i32
        %dma_start3A_231 = tpu.memref_slice %arg2[%add3A_30, %dma_start3A_229, %add3A_222, %dma_start3A_230] : memref<8x3x512x512xf32, #tpu.memory_space<hbm>> -> memref<1x3x16x512xf32, #tpu.memory_space<hbm>>
        %dma_start3A_232 = tpu.memref_squeeze %dma_start3A_231 : memref<1x3x16x512xf32, #tpu.memory_space<hbm>> -> memref<3x16x512xf32, #tpu.memory_space<hbm>>
        %dma_start3A_233 = arith.constant 0 : i32
        %dma_start3A_234 = arith.constant 0 : i32
        %dma_start3A_235 = arith.constant 0 : i32
        %dma_start3A_236 = tpu.memref_slice %arg4[%dma_start3A_223, %dma_start3A_233, %dma_start3A_234, %dma_start3A_235] : memref<2x3x16x512xf32, #tpu.memory_space<vmem>> -> memref<1x3x16x512xf32, #tpu.memory_space<vmem>>
        %dma_start3A_237 = tpu.memref_squeeze %dma_start3A_236 : memref<1x3x16x512xf32, #tpu.memory_space<vmem>> -> memref<3x16x512xf32, #tpu.memory_space<vmem>>
        %dma_start3A_238 = arith.constant 0 : i32
        %dma_start3A_239 = arith.constant 0 : i32
        %dma_start3A_240 = tpu.memref_slice %arg2[%add3A_30, %dma_start3A_238, %add3A_222, %dma_start3A_239] : memref<8x3x512x512xf32, #tpu.memory_space<hbm>> -> memref<1x3x16x512xf32, #tpu.memory_space<hbm>>
        %dma_start3A_241 = tpu.memref_squeeze %dma_start3A_240 : memref<1x3x16x512xf32, #tpu.memory_space<hbm>> -> memref<3x16x512xf32, #tpu.memory_space<hbm>>
        tpu.enqueue_dma source(%dma_start3A_241 : memref<3x16x512xf32, #tpu.memory_space<hbm>>) target(%dma_start3A_237 : memref<3x16x512xf32, #tpu.memory_space<vmem>>) target_semaphore(%arg9 : memref<!tpu.dma_semaphore, #tpu.memory_space<semaphore_mem>>)
      } else {
      }
      %add3A_186 = arith.constant 1 : i32
      %add3A_187 = arith.addi %mul3A_129, %add3A_186 : i32
      %mul3A_188 = arith.constant 16 : i32
      %mul3A_189 = arith.muli %add3A_187, %mul3A_188 : i32
      %add3A_190 = arith.addi %mul3A_32, %mul3A_189 : i32
      %dma_wait3A_191 = arith.constant 1 : i32
      %dma_wait3A_192 = arith.constant 0 : i32
      %dma_wait3A_193 = arith.constant 0 : i32
      %dma_wait3A_194 = arith.constant 0 : i32
      %dma_wait3A_195 = tpu.memref_slice %arg4[%dma_wait3A_191, %dma_wait3A_192, %dma_wait3A_193, %dma_wait3A_194] : memref<2x3x16x512xf32, #tpu.memory_space<vmem>> -> memref<1x3x16x512xf32, #tpu.memory_space<vmem>>
      %dma_wait3A_196 = tpu.memref_squeeze %dma_wait3A_195 : memref<1x3x16x512xf32, #tpu.memory_space<vmem>> -> memref<3x16x512xf32, #tpu.memory_space<vmem>>
      %dma_wait3A_197 = arith.constant 0 : i32
      %dma_wait3A_198 = arith.constant 0 : i32
      %dma_wait3A_199 = tpu.memref_slice %arg2[%add3A_30, %dma_wait3A_197, %add3A_190, %dma_wait3A_198] : memref<8x3x512x512xf32, #tpu.memory_space<hbm>> -> memref<1x3x16x512xf32, #tpu.memory_space<hbm>>
      %dma_wait3A_200 = tpu.memref_squeeze %dma_wait3A_199 : memref<1x3x16x512xf32, #tpu.memory_space<hbm>> -> memref<3x16x512xf32, #tpu.memory_space<hbm>>
      %dma_wait3A_201 = arith.constant 0 : i32
      %dma_wait3A_202 = arith.constant 0 : i32
      %dma_wait3A_203 = arith.constant 0 : i32
      %dma_wait3A_204 = tpu.memref_slice %arg4[%dma_wait3A_191, %dma_wait3A_201, %dma_wait3A_202, %dma_wait3A_203] : memref<2x3x16x512xf32, #tpu.memory_space<vmem>> -> memref<1x3x16x512xf32, #tpu.memory_space<vmem>>
      %dma_wait3A_205 = tpu.memref_squeeze %dma_wait3A_204 : memref<1x3x16x512xf32, #tpu.memory_space<vmem>> -> memref<3x16x512xf32, #tpu.memory_space<vmem>>
      %dma_wait3A_206 = arith.constant 0 : i32
      %dma_wait3A_207 = arith.constant 0 : i32
      %dma_wait3A_208 = tpu.memref_slice %arg2[%add3A_30, %dma_wait3A_206, %add3A_190, %dma_wait3A_207] : memref<8x3x512x512xf32, #tpu.memory_space<hbm>> -> memref<1x3x16x512xf32, #tpu.memory_space<hbm>>
      %dma_wait3A_209 = tpu.memref_squeeze %dma_wait3A_208 : memref<1x3x16x512xf32, #tpu.memory_space<hbm>> -> memref<3x16x512xf32, #tpu.memory_space<hbm>>
      tpu.wait_dma2 semaphore(%arg10 : memref<!tpu.dma_semaphore, #tpu.memory_space<semaphore_mem>>) src(%dma_wait3A_209 : memref<3x16x512xf32, #tpu.memory_space<hbm>>) dst(%dma_wait3A_205 : memref<3x16x512xf32, #tpu.memory_space<vmem>>)
      %add3A_210 = arith.constant 1 : i32
      %add3A_211 = arith.addi %mul3A_129, %add3A_210 : i32
      %scan3A_212 = arith.constant 0 : i32
      %scan3A_213 = arith.constant 4 : i32
      %scan3A_214 = arith.addi %scan3A_212, %scan3A_213 : i32
      %scan3A_215 = arith.constant 1 : i32
      %scan3A_216:10 = scf.for %scan3A_218 = %scan3A_212 to %scan3A_214 step %scan3A_215 iter_args(%scan3A_219 = %scan3A_179#0, %scan3A_220 = %scan3A_179#1, %scan3A_221 = %scan3A_179#2, %scan3A_222 = %scan3A_179#3, %scan3A_223 = %scan3A_179#4, %scan3A_224 = %scan3A_179#5, %scan3A_225 = %scan3A_179#6, %scan3A_226 = %scan3A_179#7, %scan3A_227 = %scan3A_179#8, %scan3A_228 = %scan3A_179#9) -> (vector<16xi32>, vector<16xi32>, vector<16xi32>, vector<16xi32>, vector<16xi32>, vector<16xf32>, vector<16xf32>, vector<16xi32>, vector<16xf32>, vector<16xf32>)  : i32 {
        %scan3A_229 = arith.constant 0 : i32
        %scan3A_230 = arith.constant 32 : i32
        %scan3A_231 = arith.addi %scan3A_229, %scan3A_230 : i32
        %scan3A_232 = arith.constant 1 : i32
        %scan3A_233:9 = scf.for %scan3A_296 = %scan3A_229 to %scan3A_231 step %scan3A_232 iter_args(%scan3A_297 = %scan3A_219, %scan3A_298 = %scan3A_220, %scan3A_299 = %scan3A_221, %scan3A_300 = %scan3A_222, %scan3A_301 = %scan3A_223, %scan3A_302 = %scan3A_224, %scan3A_303 = %scan3A_225, %scan3A_304 = %scan3A_226, %scan3A_305 = %broadcast_in_dim3A_43) -> (vector<16xi32>, vector<16xi32>, vector<16xi32>, vector<16xi32>, vector<16xi32>, vector<16xf32>, vector<16xf32>, vector<16xi32>, vector<16xi32>)  : i32 {
          %mul3A_306 = arith.constant 4 : i32
          %mul3A_307 = arith.muli %mul3A_306, %scan3A_218 : i32
          %add3A_308 = arith.constant 0 : i32
          %add3A_309 = arith.addi %mul3A_307, %add3A_308 : i32
          %mul3A_310 = arith.constant 16 : i32
          %mul3A_311 = arith.muli %scan3A_296, %mul3A_310 : i32
          %get3A = arith.constant 1 : i32
          %get3A_312 = arith.constant 0 : i32
          %get3A_313 = arith.index_cast %get3A : i32 to index
          %get3A_314 = arith.index_cast %get3A_312 : i32 to index
          %get3A_315 = arith.index_cast %add3A_309 : i32 to index
          %get3A_316 = arith.index_cast %mul3A_311 : i32 to index
          %get3A_317 = tpu.vector_load %arg4[%get3A_313, %get3A_314, %get3A_315, %get3A_316] {strides = array<i32>} : memref<2x3x16x512xf32, #tpu.memory_space<vmem>>, vector<16xf32>,
          %mul3A_318 = arith.constant 16 : i32
          %mul3A_319 = arith.muli %scan3A_296, %mul3A_318 : i32
          %get3A_320 = arith.constant 1 : i32
          %get3A_321 = arith.constant 1 : i32
          %get3A_322 = arith.index_cast %get3A_320 : i32 to index
          %get3A_323 = arith.index_cast %get3A_321 : i32 to index
          %get3A_324 = arith.index_cast %add3A_309 : i32 to index
          %get3A_325 = arith.index_cast %mul3A_319 : i32 to index
          %get3A_326 = tpu.vector_load %arg4[%get3A_322, %get3A_323, %get3A_324, %get3A_325] {strides = array<i32>} : memref<2x3x16x512xf32, #tpu.memory_space<vmem>>, vector<16xf32>,
          %mul3A_327 = arith.constant 16 : i32
          %mul3A_328 = arith.muli %scan3A_296, %mul3A_327 : i32
          %get3A_329 = arith.constant 1 : i32
          %get3A_330 = arith.constant 2 : i32
          %get3A_331 = arith.index_cast %get3A_329 : i32 to index
          %get3A_332 = arith.index_cast %get3A_330 : i32 to index
          %get3A_333 = arith.index_cast %add3A_309 : i32 to index
          %get3A_334 = arith.index_cast %mul3A_328 : i32 to index
          %get3A_335 = tpu.vector_load %arg4[%get3A_331, %get3A_332, %get3A_333, %get3A_334] {strides = array<i32>} : memref<2x3x16x512xf32, #tpu.memory_space<vmem>>, vector<16xf32>,
          %sub3A_336 = arith.subf %get3A_326, %get3A_317 : vector<16xf32>
          %sub3A_337 = arith.subf %get3A_335, %get3A_317 : vector<16xf32>
          %exp3A = math.exp %sub3A_336 : vector<16xf32>
          %exp3A_338 = math.exp %sub3A_337 : vector<16xf32>
          %add3A_339 = arith.constant 1.000000e+00 : f32
          %add3A_340 = vector.broadcast %add3A_339 : f32 to vector<16xf32>
          %add3A_341 = arith.addf %add3A_340, %exp3A : vector<16xf32>
          %add3A_342 = arith.addf %add3A_341, %exp3A_338 : vector<16xf32>
          %div3A_343 = arith.constant 1.000000e+00 : f32
          %div3A_344 = vector.broadcast %div3A_343 : f32 to vector<16xf32>
          %div3A_345 = arith.divf %div3A_344, %add3A_342 : vector<16xf32>
          %max3A_346 = arith.maximumf %get3A_326, %get3A_335 : vector<16xf32>
          %gt3A_347 = arith.cmpf ogt, %max3A_346, %get3A_317 : vector<16xf32>
          %ge3A = arith.cmpf oge, %get3A_326, %get3A_335 : vector<16xf32>
          %and3A_348 = arith.andi %gt3A_347, %ge3A : vector<16xi1>
          %xor3A = arith.xori %gt3A_347, %and3A_348 : vector<16xi1>
          %all_reduce_population_count3A = tpu.all_reduce %and3A_348 {dim = 0 : i64, kind = #tpu.reduction_kind<sum>} : vector<16xi1> -> vector<16xi32>
          %add3A_349 = arith.addi %scan3A_297, %all_reduce_population_count3A : vector<16xi32>
          %all_reduce_population_count3A_350 = tpu.all_reduce %xor3A {dim = 0 : i64, kind = #tpu.reduction_kind<sum>} : vector<16xi1> -> vector<16xi32>
          %add3A_351 = arith.addi %scan3A_301, %all_reduce_population_count3A_350 : vector<16xi32>
          %mul3A_352 = arith.mulf %exp3A, %div3A_345 : vector<16xf32>
          %select_n3A_353 = arith.select %and3A_348, %mul3A_352, %broadcast_in_dim3A_33 : vector<16xi1>, vector<16xf32>
          %add3A_354 = arith.addf %scan3A_302, %select_n3A_353 : vector<16xf32>
          %mul3A_355 = arith.mulf %exp3A_338, %div3A_345 : vector<16xf32>
          %select_n3A_356 = arith.select %xor3A, %mul3A_355, %broadcast_in_dim3A_33 : vector<16xi1>, vector<16xf32>
          %add3A_357 = arith.addf %scan3A_303, %select_n3A_356 : vector<16xf32>
          %select_n3A_358 = arith.select %and3A_348, %scan3A_305, %broadcast_in_dim3A_41 : vector<16xi1>, vector<16xi32>
          %or3A = arith.ori %scan3A_304, %select_n3A_358 : vector<16xi32>
          %mul3A_359 = arith.constant 4 : i32
          %mul3A_360 = arith.muli %mul3A_359, %scan3A_218 : i32
          %add3A_361 = arith.constant 1 : i32
          %add3A_362 = arith.addi %mul3A_360, %add3A_361 : i32
          %mul3A_363 = arith.constant 16 : i32
          %mul3A_364 = arith.muli %scan3A_296, %mul3A_363 : i32
          %get3A_365 = arith.constant 1 : i32
          %get3A_366 = arith.constant 0 : i32
          %get3A_367 = arith.index_cast %get3A_365 : i32 to index
          %get3A_368 = arith.index_cast %get3A_366 : i32 to index
          %get3A_369 = arith.index_cast %add3A_362 : i32 to index
          %get3A_370 = arith.index_cast %mul3A_364 : i32 to index
          %get3A_371 = tpu.vector_load %arg4[%get3A_367, %get3A_368, %get3A_369, %get3A_370] {strides = array<i32>} : memref<2x3x16x512xf32, #tpu.memory_space<vmem>>, vector<16xf32>,
          %mul3A_372 = arith.constant 16 : i32
          %mul3A_373 = arith.muli %scan3A_296, %mul3A_372 : i32
          %get3A_374 = arith.constant 1 : i32
          %get3A_375 = arith.constant 1 : i32
          %get3A_376 = arith.index_cast %get3A_374 : i32 to index
          %get3A_377 = arith.index_cast %get3A_375 : i32 to index
          %get3A_378 = arith.index_cast %add3A_362 : i32 to index
          %get3A_379 = arith.index_cast %mul3A_373 : i32 to index
          %get3A_380 = tpu.vector_load %arg4[%get3A_376, %get3A_377, %get3A_378, %get3A_379] {strides = array<i32>} : memref<2x3x16x512xf32, #tpu.memory_space<vmem>>, vector<16xf32>,
          %mul3A_381 = arith.constant 16 : i32
          %mul3A_382 = arith.muli %scan3A_296, %mul3A_381 : i32
          %get3A_383 = arith.constant 1 : i32
          %get3A_384 = arith.constant 2 : i32
          %get3A_385 = arith.index_cast %get3A_383 : i32 to index
          %get3A_386 = arith.index_cast %get3A_384 : i32 to index
          %get3A_387 = arith.index_cast %add3A_362 : i32 to index
          %get3A_388 = arith.index_cast %mul3A_382 : i32 to index
          %get3A_389 = tpu.vector_load %arg4[%get3A_385, %get3A_386, %get3A_387, %get3A_388] {strides = array<i32>} : memref<2x3x16x512xf32, #tpu.memory_space<vmem>>, vector<16xf32>,
          %sub3A_390 = arith.subf %get3A_380, %get3A_371 : vector<16xf32>
          %sub3A_391 = arith.subf %get3A_389, %get3A_371 : vector<16xf32>
          %exp3A_392 = math.exp %sub3A_390 : vector<16xf32>
          %exp3A_393 = math.exp %sub3A_391 : vector<16xf32>
          %add3A_394 = arith.constant 1.000000e+00 : f32
          %add3A_395 = vector.broadcast %add3A_394 : f32 to vector<16xf32>
          %add3A_396 = arith.addf %add3A_395, %exp3A_392 : vector<16xf32>
          %add3A_397 = arith.addf %add3A_396, %exp3A_393 : vector<16xf32>
          %div3A_398 = arith.constant 1.000000e+00 : f32
          %div3A_399 = vector.broadcast %div3A_398 : f32 to vector<16xf32>
          %div3A_400 = arith.divf %div3A_399, %add3A_397 : vector<16xf32>
          %max3A_401 = arith.maximumf %get3A_380, %get3A_389 : vector<16xf32>
          %gt3A_402 = arith.cmpf ogt, %max3A_401, %get3A_371 : vector<16xf32>
          %ge3A_403 = arith.cmpf oge, %get3A_380, %get3A_389 : vector<16xf32>
          %and3A_404 = arith.andi %gt3A_402, %ge3A_403 : vector<16xi1>
          %xor3A_405 = arith.xori %gt3A_402, %and3A_404 : vector<16xi1>
          %all_reduce_population_count3A_406 = tpu.all_reduce %and3A_404 {dim = 0 : i64, kind = #tpu.reduction_kind<sum>} : vector<16xi1> -> vector<16xi32>
          %add3A_407 = arith.addi %scan3A_298, %all_reduce_population_count3A_406 : vector<16xi32>
          %all_reduce_population_count3A_408 = tpu.all_reduce %xor3A_405 {dim = 0 : i64, kind = #tpu.reduction_kind<sum>} : vector<16xi1> -> vector<16xi32>
          %add3A_409 = arith.addi %add3A_351, %all_reduce_population_count3A_408 : vector<16xi32>
          %mul3A_410 = arith.mulf %exp3A_392, %div3A_400 : vector<16xf32>
          %select_n3A_411 = arith.select %and3A_404, %mul3A_410, %broadcast_in_dim3A_33 : vector<16xi1>, vector<16xf32>
          %add3A_412 = arith.addf %add3A_354, %select_n3A_411 : vector<16xf32>
          %mul3A_413 = arith.mulf %exp3A_393, %div3A_400 : vector<16xf32>
          %select_n3A_414 = arith.select %xor3A_405, %mul3A_413, %broadcast_in_dim3A_33 : vector<16xi1>, vector<16xf32>
          %add3A_415 = arith.addf %add3A_357, %select_n3A_414 : vector<16xf32>
          %select_n3A_416 = arith.select %and3A_404, %scan3A_305, %broadcast_in_dim3A_41 : vector<16xi1>, vector<16xi32>
          %or3A_417 = arith.ori %or3A, %select_n3A_416 : vector<16xi32>
          %mul3A_418 = arith.constant 4 : i32
          %mul3A_419 = arith.muli %mul3A_418, %scan3A_218 : i32
          %add3A_420 = arith.constant 2 : i32
          %add3A_421 = arith.addi %mul3A_419, %add3A_420 : i32
          %mul3A_422 = arith.constant 16 : i32
          %mul3A_423 = arith.muli %scan3A_296, %mul3A_422 : i32
          %get3A_424 = arith.constant 1 : i32
          %get3A_425 = arith.constant 0 : i32
          %get3A_426 = arith.index_cast %get3A_424 : i32 to index
          %get3A_427 = arith.index_cast %get3A_425 : i32 to index
          %get3A_428 = arith.index_cast %add3A_421 : i32 to index
          %get3A_429 = arith.index_cast %mul3A_423 : i32 to index
          %get3A_430 = tpu.vector_load %arg4[%get3A_426, %get3A_427, %get3A_428, %get3A_429] {strides = array<i32>} : memref<2x3x16x512xf32, #tpu.memory_space<vmem>>, vector<16xf32>,
          %mul3A_431 = arith.constant 16 : i32
          %mul3A_432 = arith.muli %scan3A_296, %mul3A_431 : i32
          %get3A_433 = arith.constant 1 : i32
          %get3A_434 = arith.constant 1 : i32
          %get3A_435 = arith.index_cast %get3A_433 : i32 to index
          %get3A_436 = arith.index_cast %get3A_434 : i32 to index
          %get3A_437 = arith.index_cast %add3A_421 : i32 to index
          %get3A_438 = arith.index_cast %mul3A_432 : i32 to index
          %get3A_439 = tpu.vector_load %arg4[%get3A_435, %get3A_436, %get3A_437, %get3A_438] {strides = array<i32>} : memref<2x3x16x512xf32, #tpu.memory_space<vmem>>, vector<16xf32>,
          %mul3A_440 = arith.constant 16 : i32
          %mul3A_441 = arith.muli %scan3A_296, %mul3A_440 : i32
          %get3A_442 = arith.constant 1 : i32
          %get3A_443 = arith.constant 2 : i32
          %get3A_444 = arith.index_cast %get3A_442 : i32 to index
          %get3A_445 = arith.index_cast %get3A_443 : i32 to index
          %get3A_446 = arith.index_cast %add3A_421 : i32 to index
          %get3A_447 = arith.index_cast %mul3A_441 : i32 to index
          %get3A_448 = tpu.vector_load %arg4[%get3A_444, %get3A_445, %get3A_446, %get3A_447] {strides = array<i32>} : memref<2x3x16x512xf32, #tpu.memory_space<vmem>>, vector<16xf32>,
          %sub3A_449 = arith.subf %get3A_439, %get3A_430 : vector<16xf32>
          %sub3A_450 = arith.subf %get3A_448, %get3A_430 : vector<16xf32>
          %exp3A_451 = math.exp %sub3A_449 : vector<16xf32>
          %exp3A_452 = math.exp %sub3A_450 : vector<16xf32>
          %add3A_453 = arith.constant 1.000000e+00 : f32
          %add3A_454 = vector.broadcast %add3A_453 : f32 to vector<16xf32>
          %add3A_455 = arith.addf %add3A_454, %exp3A_451 : vector<16xf32>
          %add3A_456 = arith.addf %add3A_455, %exp3A_452 : vector<16xf32>
          %div3A_457 = arith.constant 1.000000e+00 : f32
          %div3A_458 = vector.broadcast %div3A_457 : f32 to vector<16xf32>
          %div3A_459 = arith.divf %div3A_458, %add3A_456 : vector<16xf32>
          %max3A_460 = arith.maximumf %get3A_439, %get3A_448 : vector<16xf32>
          %gt3A_461 = arith.cmpf ogt, %max3A_460, %get3A_430 : vector<16xf32>
          %ge3A_462 = arith.cmpf oge, %get3A_439, %get3A_448 : vector<16xf32>
          %and3A_463 = arith.andi %gt3A_461, %ge3A_462 : vector<16xi1>
          %xor3A_464 = arith.xori %gt3A_461, %and3A_463 : vector<16xi1>
          %all_reduce_population_count3A_465 = tpu.all_reduce %and3A_463 {dim = 0 : i64, kind = #tpu.reduction_kind<sum>} : vector<16xi1> -> vector<16xi32>
          %add3A_466 = arith.addi %scan3A_299, %all_reduce_population_count3A_465 : vector<16xi32>
          %all_reduce_population_count3A_467 = tpu.all_reduce %xor3A_464 {dim = 0 : i64, kind = #tpu.reduction_kind<sum>} : vector<16xi1> -> vector<16xi32>
          %add3A_468 = arith.addi %add3A_409, %all_reduce_population_count3A_467 : vector<16xi32>
          %mul3A_469 = arith.mulf %exp3A_451, %div3A_459 : vector<16xf32>
          %select_n3A_470 = arith.select %and3A_463, %mul3A_469, %broadcast_in_dim3A_33 : vector<16xi1>, vector<16xf32>
          %add3A_471 = arith.addf %add3A_412, %select_n3A_470 : vector<16xf32>
          %mul3A_472 = arith.mulf %exp3A_452, %div3A_459 : vector<16xf32>
          %select_n3A_473 = arith.select %xor3A_464, %mul3A_472, %broadcast_in_dim3A_33 : vector<16xi1>, vector<16xf32>
          %add3A_474 = arith.addf %add3A_415, %select_n3A_473 : vector<16xf32>
          %select_n3A_475 = arith.select %and3A_463, %scan3A_305, %broadcast_in_dim3A_41 : vector<16xi1>, vector<16xi32>
          %or3A_476 = arith.ori %or3A_417, %select_n3A_475 : vector<16xi32>
          %mul3A_477 = arith.constant 4 : i32
          %mul3A_478 = arith.muli %mul3A_477, %scan3A_218 : i32
          %add3A_479 = arith.constant 3 : i32
          %add3A_480 = arith.addi %mul3A_478, %add3A_479 : i32
          %mul3A_481 = arith.constant 16 : i32
          %mul3A_482 = arith.muli %scan3A_296, %mul3A_481 : i32
          %get3A_483 = arith.constant 1 : i32
          %get3A_484 = arith.constant 0 : i32
          %get3A_485 = arith.index_cast %get3A_483 : i32 to index
          %get3A_486 = arith.index_cast %get3A_484 : i32 to index
          %get3A_487 = arith.index_cast %add3A_480 : i32 to index
          %get3A_488 = arith.index_cast %mul3A_482 : i32 to index
          %get3A_489 = tpu.vector_load %arg4[%get3A_485, %get3A_486, %get3A_487, %get3A_488] {strides = array<i32>} : memref<2x3x16x512xf32, #tpu.memory_space<vmem>>, vector<16xf32>,
          %mul3A_490 = arith.constant 16 : i32
          %mul3A_491 = arith.muli %scan3A_296, %mul3A_490 : i32
          %get3A_492 = arith.constant 1 : i32
          %get3A_493 = arith.constant 1 : i32
          %get3A_494 = arith.index_cast %get3A_492 : i32 to index
          %get3A_495 = arith.index_cast %get3A_493 : i32 to index
          %get3A_496 = arith.index_cast %add3A_480 : i32 to index
          %get3A_497 = arith.index_cast %mul3A_491 : i32 to index
          %get3A_498 = tpu.vector_load %arg4[%get3A_494, %get3A_495, %get3A_496, %get3A_497] {strides = array<i32>} : memref<2x3x16x512xf32, #tpu.memory_space<vmem>>, vector<16xf32>,
          %mul3A_499 = arith.constant 16 : i32
          %mul3A_500 = arith.muli %scan3A_296, %mul3A_499 : i32
          %get3A_501 = arith.constant 1 : i32
          %get3A_502 = arith.constant 2 : i32
          %get3A_503 = arith.index_cast %get3A_501 : i32 to index
          %get3A_504 = arith.index_cast %get3A_502 : i32 to index
          %get3A_505 = arith.index_cast %add3A_480 : i32 to index
          %get3A_506 = arith.index_cast %mul3A_500 : i32 to index
          %get3A_507 = tpu.vector_load %arg4[%get3A_503, %get3A_504, %get3A_505, %get3A_506] {strides = array<i32>} : memref<2x3x16x512xf32, #tpu.memory_space<vmem>>, vector<16xf32>,
          %sub3A_508 = arith.subf %get3A_498, %get3A_489 : vector<16xf32>
          %sub3A_509 = arith.subf %get3A_507, %get3A_489 : vector<16xf32>
          %exp3A_510 = math.exp %sub3A_508 : vector<16xf32>
          %exp3A_511 = math.exp %sub3A_509 : vector<16xf32>
          %add3A_512 = arith.constant 1.000000e+00 : f32
          %add3A_513 = vector.broadcast %add3A_512 : f32 to vector<16xf32>
          %add3A_514 = arith.addf %add3A_513, %exp3A_510 : vector<16xf32>
          %add3A_515 = arith.addf %add3A_514, %exp3A_511 : vector<16xf32>
          %div3A_516 = arith.constant 1.000000e+00 : f32
          %div3A_517 = vector.broadcast %div3A_516 : f32 to vector<16xf32>
          %div3A_518 = arith.divf %div3A_517, %add3A_515 : vector<16xf32>
          %max3A_519 = arith.maximumf %get3A_498, %get3A_507 : vector<16xf32>
          %gt3A_520 = arith.cmpf ogt, %max3A_519, %get3A_489 : vector<16xf32>
          %ge3A_521 = arith.cmpf oge, %get3A_498, %get3A_507 : vector<16xf32>
          %and3A_522 = arith.andi %gt3A_520, %ge3A_521 : vector<16xi1>
          %xor3A_523 = arith.xori %gt3A_520, %and3A_522 : vector<16xi1>
          %all_reduce_population_count3A_524 = tpu.all_reduce %and3A_522 {dim = 0 : i64, kind = #tpu.reduction_kind<sum>} : vector<16xi1> -> vector<16xi32>
          %add3A_525 = arith.addi %scan3A_300, %all_reduce_population_count3A_524 : vector<16xi32>
          %all_reduce_population_count3A_526 = tpu.all_reduce %xor3A_523 {dim = 0 : i64, kind = #tpu.reduction_kind<sum>} : vector<16xi1> -> vector<16xi32>
          %add3A_527 = arith.addi %add3A_468, %all_reduce_population_count3A_526 : vector<16xi32>
          %mul3A_528 = arith.mulf %exp3A_510, %div3A_518 : vector<16xf32>
          %select_n3A_529 = arith.select %and3A_522, %mul3A_528, %broadcast_in_dim3A_33 : vector<16xi1>, vector<16xf32>
          %add3A_530 = arith.addf %add3A_471, %select_n3A_529 : vector<16xf32>
          %mul3A_531 = arith.mulf %exp3A_511, %div3A_518 : vector<16xf32>
          %select_n3A_532 = arith.select %xor3A_523, %mul3A_531, %broadcast_in_dim3A_33 : vector<16xi1>, vector<16xf32>
          %add3A_533 = arith.addf %add3A_474, %select_n3A_532 : vector<16xf32>
          %select_n3A_534 = arith.select %and3A_522, %scan3A_305, %broadcast_in_dim3A_41 : vector<16xi1>, vector<16xi32>
          %or3A_535 = arith.ori %or3A_476, %select_n3A_534 : vector<16xi32>
          %shift_left3A = arith.constant 1 : i32
          %shift_left3A_536 = vector.broadcast %shift_left3A : i32 to vector<16xi32>
          %shift_left3A_537 = arith.shli %scan3A_305, %shift_left3A_536 : vector<16xi32>
          scf.yield %add3A_349, %add3A_407, %add3A_466, %add3A_525, %add3A_527, %add3A_530, %add3A_533, %or3A_535, %shift_left3A_537 : vector<16xi32>, vector<16xi32>, vector<16xi32>, vector<16xi32>, vector<16xi32>, vector<16xf32>, vector<16xf32>, vector<16xi32>, vector<16xi32>
        }
        %scan3A_234 = arith.constant 32 : i32
        %mul3A_235 = arith.constant 16 : i32
        %mul3A_236 = arith.muli %add3A_211, %mul3A_235 : i32
        %add3A_237 = arith.addi %mul3A_32, %mul3A_236 : i32
        %mul3A_238 = arith.constant 4 : i32
        %mul3A_239 = arith.muli %mul3A_238, %scan3A_218 : i32
        %add3A_240 = arith.addi %add3A_237, %mul3A_239 : i32
        %add3A_241 = arith.constant 0 : i32
        %add3A_242 = arith.addi %add3A_240, %add3A_241 : i32
        %convert_element_type3A_243 = arith.sitofp %add3A_242 : i32 to f32
        %gt3A = arith.cmpi sgt, %scan3A_233#0, %scan3A_219 : vector<16xi32>
        %broadcast_in_dim3A_244 = vector.broadcast %convert_element_type3A_243 : f32 to vector<16xf32>
        %select_n3A_245 = arith.select %gt3A, %broadcast_in_dim3A_244, %broadcast_in_dim3A_37 : vector<16xi1>, vector<16xf32>
        %min3A = arith.minimumf %scan3A_227, %select_n3A_245 : vector<16xf32>
        %broadcast_in_dim3A_246 = vector.broadcast %convert_element_type3A_243 : f32 to vector<16xf32>
        %select_n3A_247 = arith.select %gt3A, %broadcast_in_dim3A_246, %broadcast_in_dim3A_39 : vector<16xi1>, vector<16xf32>
        %max3A = arith.maximumf %scan3A_228, %select_n3A_247 : vector<16xf32>
        %mul3A_248 = arith.constant 16 : i32
        %mul3A_249 = arith.muli %add3A_211, %mul3A_248 : i32
        %add3A_250 = arith.addi %mul3A_32, %mul3A_249 : i32
        %mul3A_251 = arith.constant 4 : i32
        %mul3A_252 = arith.muli %mul3A_251, %scan3A_218 : i32
        %add3A_253 = arith.addi %add3A_250, %mul3A_252 : i32
        %add3A_254 = arith.constant 1 : i32
        %add3A_255 = arith.addi %add3A_253, %add3A_254 : i32
        %convert_element_type3A_256 = arith.sitofp %add3A_255 : i32 to f32
        %gt3A_257 = arith.cmpi sgt, %scan3A_233#1, %scan3A_220 : vector<16xi32>
        %broadcast_in_dim3A_258 = vector.broadcast %convert_element_type3A_256 : f32 to vector<16xf32>
        %select_n3A_259 = arith.select %gt3A_257, %broadcast_in_dim3A_258, %broadcast_in_dim3A_37 : vector<16xi1>, vector<16xf32>
        %min3A_260 = arith.minimumf %min3A, %select_n3A_259 : vector<16xf32>
        %broadcast_in_dim3A_261 = vector.broadcast %convert_element_type3A_256 : f32 to vector<16xf32>
        %select_n3A_262 = arith.select %gt3A_257, %broadcast_in_dim3A_261, %broadcast_in_dim3A_39 : vector<16xi1>, vector<16xf32>
        %max3A_263 = arith.maximumf %max3A, %select_n3A_262 : vector<16xf32>
        %mul3A_264 = arith.constant 16 : i32
        %mul3A_265 = arith.muli %add3A_211, %mul3A_264 : i32
        %add3A_266 = arith.addi %mul3A_32, %mul3A_265 : i32
        %mul3A_267 = arith.constant 4 : i32
        %mul3A_268 = arith.muli %mul3A_267, %scan3A_218 : i32
        %add3A_269 = arith.addi %add3A_266, %mul3A_268 : i32
        %add3A_270 = arith.constant 2 : i32
        %add3A_271 = arith.addi %add3A_269, %add3A_270 : i32
        %convert_element_type3A_272 = arith.sitofp %add3A_271 : i32 to f32
        %gt3A_273 = arith.cmpi sgt, %scan3A_233#2, %scan3A_221 : vector<16xi32>
        %broadcast_in_dim3A_274 = vector.broadcast %convert_element_type3A_272 : f32 to vector<16xf32>
        %select_n3A_275 = arith.select %gt3A_273, %broadcast_in_dim3A_274, %broadcast_in_dim3A_37 : vector<16xi1>, vector<16xf32>
        %min3A_276 = arith.minimumf %min3A_260, %select_n3A_275 : vector<16xf32>
        %broadcast_in_dim3A_277 = vector.broadcast %convert_element_type3A_272 : f32 to vector<16xf32>
        %select_n3A_278 = arith.select %gt3A_273, %broadcast_in_dim3A_277, %broadcast_in_dim3A_39 : vector<16xi1>, vector<16xf32>
        %max3A_279 = arith.maximumf %max3A_263, %select_n3A_278 : vector<16xf32>
        %mul3A_280 = arith.constant 16 : i32
        %mul3A_281 = arith.muli %add3A_211, %mul3A_280 : i32
        %add3A_282 = arith.addi %mul3A_32, %mul3A_281 : i32
        %mul3A_283 = arith.constant 4 : i32
        %mul3A_284 = arith.muli %mul3A_283, %scan3A_218 : i32
        %add3A_285 = arith.addi %add3A_282, %mul3A_284 : i32
        %add3A_286 = arith.constant 3 : i32
        %add3A_287 = arith.addi %add3A_285, %add3A_286 : i32
        %convert_element_type3A_288 = arith.sitofp %add3A_287 : i32 to f32
        %gt3A_289 = arith.cmpi sgt, %scan3A_233#3, %scan3A_222 : vector<16xi32>
        %broadcast_in_dim3A_290 = vector.broadcast %convert_element_type3A_288 : f32 to vector<16xf32>
        %select_n3A_291 = arith.select %gt3A_289, %broadcast_in_dim3A_290, %broadcast_in_dim3A_37 : vector<16xi1>, vector<16xf32>
        %min3A_292 = arith.minimumf %min3A_276, %select_n3A_291 : vector<16xf32>
        %broadcast_in_dim3A_293 = vector.broadcast %convert_element_type3A_288 : f32 to vector<16xf32>
        %select_n3A_294 = arith.select %gt3A_289, %broadcast_in_dim3A_293, %broadcast_in_dim3A_39 : vector<16xi1>, vector<16xf32>
        %max3A_295 = arith.maximumf %max3A_279, %select_n3A_294 : vector<16xf32>
        scf.yield %scan3A_233#0, %scan3A_233#1, %scan3A_233#2, %scan3A_233#3, %scan3A_233#4, %scan3A_233#5, %scan3A_233#6, %scan3A_233#7, %min3A_292, %max3A_295 : vector<16xi32>, vector<16xi32>, vector<16xi32>, vector<16xi32>, vector<16xi32>, vector<16xf32>, vector<16xf32>, vector<16xi32>, vector<16xf32>, vector<16xf32>
      }
      %scan3A_217 = arith.constant 4 : i32
      scf.yield %scan3A_216#0, %scan3A_216#1, %scan3A_216#2, %scan3A_216#3, %scan3A_216#4, %scan3A_216#5, %scan3A_216#6, %scan3A_216#7, %scan3A_216#8, %scan3A_216#9 : vector<16xi32>, vector<16xi32>, vector<16xi32>, vector<16xi32>, vector<16xi32>, vector<16xf32>, vector<16xf32>, vector<16xi32>, vector<16xf32>, vector<16xf32>
    }
    %scan3A_70 = arith.constant 4 : i32
    %add3A_71 = arith.addi %scan3A_69#0, %scan3A_69#1 : vector<16xi32>
    %add3A_72 = arith.addi %add3A_71, %scan3A_69#2 : vector<16xi32>
    %add3A_73 = arith.addi %add3A_72, %scan3A_69#3 : vector<16xi32>
    %scan3A_74 = arith.constant 0 : i32
    %scan3A_75 = arith.constant 32 : i32
    %scan3A_76 = arith.addi %scan3A_74, %scan3A_75 : i32
    %scan3A_77 = arith.constant 1 : i32
    %scan3A_78:2 = scf.for %scan3A_117 = %scan3A_74 to %scan3A_76 step %scan3A_77 iter_args(%scan3A_118 = %broadcast_in_dim3A_37, %scan3A_119 = %broadcast_in_dim3A_39) -> (vector<16xf32>, vector<16xf32>)  : i32 {
      %shift_right_logical3A = vector.broadcast %scan3A_117 : i32 to vector<16xi32>
      %shift_right_logical3A_120 = arith.shrui %scan3A_69#7, %shift_right_logical3A : vector<16xi32>
      %and3A_121 = arith.andi %shift_right_logical3A_120, %broadcast_in_dim3A_43 : vector<16xi32>
      %gt3A = arith.constant 0 : i32
      %gt3A_122 = vector.broadcast %gt3A : i32 to vector<16xi32>
      %gt3A_123 = arith.cmpi ugt, %and3A_121, %gt3A_122 : vector<16xi32>
      %mul3A_124 = arith.constant 16 : i32
      %mul3A_125 = arith.muli %scan3A_117, %mul3A_124 : i32
      %convert_element_type3A_126 = arith.sitofp %mul3A_125 : i32 to f32
      %add3A_127 = vector.broadcast %convert_element_type3A_126 : f32 to vector<16xf32>
      %add3A_128 = arith.addf %convert_element_type3A, %add3A_127 : vector<16xf32>
      %select_n3A_129 = arith.select %gt3A_123, %add3A_128, %broadcast_in_dim3A_37 : vector<16xi1>, vector<16xf32>
      %min3A = arith.minimumf %scan3A_118, %select_n3A_129 : vector<16xf32>
      %select_n3A_130 = arith.select %gt3A_123, %add3A_128, %broadcast_in_dim3A_39 : vector<16xi1>, vector<16xf32>
      %max3A = arith.maximumf %scan3A_119, %select_n3A_130 : vector<16xf32>
      scf.yield %min3A, %max3A : vector<16xf32>, vector<16xf32>
    }
    %scan3A_79 = arith.constant 32 : i32
    %convert_element_type3A_80 = arith.sitofp %add3A_73 : vector<16xi32> to vector<16xf32>
    %convert_element_type3A_81 = arith.sitofp %scan3A_69#4 : vector<16xi32> to vector<16xf32>
    %swap3A = arith.constant 0 : i32
    %swap3A_82 = arith.index_cast %swap3A : i32 to index
    %swap3A_83 = arith.constant 0 : index
    %swap3A_84 = tpu.vector_load %arg5[%swap3A_82, %swap3A_83] {strides = array<i32>} : memref<8x16xf32, #tpu.memory_space<vmem>>, vector<16xf32>,
    tpu.vector_store %arg5[%swap3A_82, %swap3A_83], %convert_element_type3A_80 {strides = array<i32>} : memref<8x16xf32, #tpu.memory_space<vmem>>, vector<16xf32>,
    %swap3A_85 = arith.constant 1 : i32
    %swap3A_86 = arith.index_cast %swap3A_85 : i32 to index
    %swap3A_87 = arith.constant 0 : index
    %swap3A_88 = tpu.vector_load %arg5[%swap3A_86, %swap3A_87] {strides = array<i32>} : memref<8x16xf32, #tpu.memory_space<vmem>>, vector<16xf32>,
    tpu.vector_store %arg5[%swap3A_86, %swap3A_87], %convert_element_type3A_81 {strides = array<i32>} : memref<8x16xf32, #tpu.memory_space<vmem>>, vector<16xf32>,
    %swap3A_89 = arith.constant 2 : i32
    %swap3A_90 = arith.index_cast %swap3A_89 : i32 to index
    %swap3A_91 = arith.constant 0 : index
    %swap3A_92 = tpu.vector_load %arg5[%swap3A_90, %swap3A_91] {strides = array<i32>} : memref<8x16xf32, #tpu.memory_space<vmem>>, vector<16xf32>,
    tpu.vector_store %arg5[%swap3A_90, %swap3A_91], %scan3A_69#5 {strides = array<i32>} : memref<8x16xf32, #tpu.memory_space<vmem>>, vector<16xf32>,
    %swap3A_93 = arith.constant 3 : i32
    %swap3A_94 = arith.index_cast %swap3A_93 : i32 to index
    %swap3A_95 = arith.constant 0 : index
    %swap3A_96 = tpu.vector_load %arg5[%swap3A_94, %swap3A_95] {strides = array<i32>} : memref<8x16xf32, #tpu.memory_space<vmem>>, vector<16xf32>,
    tpu.vector_store %arg5[%swap3A_94, %swap3A_95], %scan3A_69#6 {strides = array<i32>} : memref<8x16xf32, #tpu.memory_space<vmem>>, vector<16xf32>,
    %swap3A_97 = arith.constant 4 : i32
    %swap3A_98 = arith.index_cast %swap3A_97 : i32 to index
    %swap3A_99 = arith.constant 0 : index
    %swap3A_100 = tpu.vector_load %arg5[%swap3A_98, %swap3A_99] {strides = array<i32>} : memref<8x16xf32, #tpu.memory_space<vmem>>, vector<16xf32>,
    tpu.vector_store %arg5[%swap3A_98, %swap3A_99], %scan3A_78#0 {strides = array<i32>} : memref<8x16xf32, #tpu.memory_space<vmem>>, vector<16xf32>,
    %swap3A_101 = arith.constant 5 : i32
    %swap3A_102 = arith.index_cast %swap3A_101 : i32 to index
    %swap3A_103 = arith.constant 0 : index
    %swap3A_104 = tpu.vector_load %arg5[%swap3A_102, %swap3A_103] {strides = array<i32>} : memref<8x16xf32, #tpu.memory_space<vmem>>, vector<16xf32>,
    tpu.vector_store %arg5[%swap3A_102, %swap3A_103], %scan3A_78#1 {strides = array<i32>} : memref<8x16xf32, #tpu.memory_space<vmem>>, vector<16xf32>,
    %swap3A_105 = arith.constant 6 : i32
    %swap3A_106 = arith.index_cast %swap3A_105 : i32 to index
    %swap3A_107 = arith.constant 0 : index
    %swap3A_108 = tpu.vector_load %arg5[%swap3A_106, %swap3A_107] {strides = array<i32>} : memref<8x16xf32, #tpu.memory_space<vmem>>, vector<16xf32>,
    tpu.vector_store %arg5[%swap3A_106, %swap3A_107], %scan3A_69#8 {strides = array<i32>} : memref<8x16xf32, #tpu.memory_space<vmem>>, vector<16xf32>,
    %swap3A_109 = arith.constant 7 : i32
    %swap3A_110 = arith.index_cast %swap3A_109 : i32 to index
    %swap3A_111 = arith.constant 0 : index
    %swap3A_112 = tpu.vector_load %arg5[%swap3A_110, %swap3A_111] {strides = array<i32>} : memref<8x16xf32, #tpu.memory_space<vmem>>, vector<16xf32>,
    tpu.vector_store %arg5[%swap3A_110, %swap3A_111], %scan3A_69#9 {strides = array<i32>} : memref<8x16xf32, #tpu.memory_space<vmem>>, vector<16xf32>,
    "tpu.region"() ({
      %run_scoped3A = tpu.sem_alloc : memref<!tpu.dma_semaphore, #tpu.memory_space<semaphore_mem>>
      %dma_start3A_117 = arith.constant 0 : i32
      %dma_start3A_118 = arith.constant 0 : i32
      %dma_start3A_119 = tpu.memref_slice %arg8[%arg1, %dma_start3A_117, %dma_start3A_118] : memref<16x8x16xf32, #tpu.memory_space<vmem_shared>> -> memref<1x8x16xf32, #tpu.memory_space<vmem_shared>>
      %dma_start3A_120 = tpu.memref_squeeze %dma_start3A_119 : memref<1x8x16xf32, #tpu.memory_space<vmem_shared>> -> memref<8x16xf32, #tpu.memory_space<vmem_shared>>
      %dma_start3A_121 = arith.constant 0 : i32
      %dma_start3A_122 = arith.constant 0 : i32
      %dma_start3A_123 = tpu.memref_slice %arg8[%arg1, %dma_start3A_121, %dma_start3A_122] : memref<16x8x16xf32, #tpu.memory_space<vmem_shared>> -> memref<1x8x16xf32, #tpu.memory_space<vmem_shared>>
      %dma_start3A_124 = tpu.memref_squeeze %dma_start3A_123 : memref<1x8x16xf32, #tpu.memory_space<vmem_shared>> -> memref<8x16xf32, #tpu.memory_space<vmem_shared>>
      tpu.enqueue_dma source(%arg5 : memref<8x16xf32, #tpu.memory_space<vmem>>) target(%dma_start3A_124 : memref<8x16xf32, #tpu.memory_space<vmem_shared>>) target_semaphore(%run_scoped3A : memref<!tpu.dma_semaphore, #tpu.memory_space<semaphore_mem>>)
      %dma_wait3A = arith.constant 0 : i32
      %dma_wait3A_125 = arith.constant 0 : i32
      %dma_wait3A_126 = tpu.memref_slice %arg8[%arg1, %dma_wait3A, %dma_wait3A_125] : memref<16x8x16xf32, #tpu.memory_space<vmem_shared>> -> memref<1x8x16xf32, #tpu.memory_space<vmem_shared>>
      %dma_wait3A_127 = tpu.memref_squeeze %dma_wait3A_126 : memref<1x8x16xf32, #tpu.memory_space<vmem_shared>> -> memref<8x16xf32, #tpu.memory_space<vmem_shared>>
      %dma_wait3A_128 = arith.constant 0 : i32
      %dma_wait3A_129 = arith.constant 0 : i32
      %dma_wait3A_130 = tpu.memref_slice %arg8[%arg1, %dma_wait3A_128, %dma_wait3A_129] : memref<16x8x16xf32, #tpu.memory_space<vmem_shared>> -> memref<1x8x16xf32, #tpu.memory_space<vmem_shared>>
      %dma_wait3A_131 = tpu.memref_squeeze %dma_wait3A_130 : memref<1x8x16xf32, #tpu.memory_space<vmem_shared>> -> memref<8x16xf32, #tpu.memory_space<vmem_shared>>
      tpu.wait_dma2 semaphore(%run_scoped3A : memref<!tpu.dma_semaphore, #tpu.memory_space<semaphore_mem>>) src(%arg5 : memref<8x16xf32, #tpu.memory_space<vmem>>) dst(%dma_wait3A_131 : memref<8x16xf32, #tpu.memory_space<vmem_shared>>)
      tpu.yield
    }) : () -> ()
    %barrier3A = arith.constant 0 : index
    tpu.barrier barrier_id(%barrier3A)
    %eq3A_113 = arith.constant 0 : i32
    %eq3A_114 = arith.cmpi eq, %select_n3A_28, %eq3A_113 : i32
    %convert_element_type3A_115 = arith.extui %eq3A_114 : i1 to i32
    %cond3A = arith.constant 0 : i32
    %cond3A_116 = arith.cmpi ne, %convert_element_type3A_115, %cond3A : i32
    scf.if %cond3A_116 {
      "tpu.region"() ({
        %run_scoped3A = tpu.sem_alloc : memref<!tpu.dma_semaphore, #tpu.memory_space<semaphore_mem>>
        %dma_start3A_459 = arith.constant 0 : i32
        %dma_start3A_460 = arith.constant 0 : i32
        %dma_start3A_461 = tpu.memref_slice %arg8[%arg1, %dma_start3A_459, %dma_start3A_460] : memref<16x8x16xf32, #tpu.memory_space<vmem_shared>> -> memref<4x8x16xf32, #tpu.memory_space<vmem_shared>>
        %dma_start3A_462 = arith.constant 0 : i32
        %dma_start3A_463 = arith.constant 0 : i32
        %dma_start3A_464 = tpu.memref_slice %arg8[%arg1, %dma_start3A_462, %dma_start3A_463] : memref<16x8x16xf32, #tpu.memory_space<vmem_shared>> -> memref<4x8x16xf32, #tpu.memory_space<vmem_shared>>
        tpu.enqueue_dma source(%dma_start3A_464 : memref<4x8x16xf32, #tpu.memory_space<vmem_shared>>) target(%arg6 : memref<4x8x16xf32, #tpu.memory_space<vmem>>) target_semaphore(%run_scoped3A : memref<!tpu.dma_semaphore, #tpu.memory_space<semaphore_mem>>)
        %dma_wait3A = arith.constant 0 : i32
        %dma_wait3A_465 = arith.constant 0 : i32
        %dma_wait3A_466 = tpu.memref_slice %arg8[%arg1, %dma_wait3A, %dma_wait3A_465] : memref<16x8x16xf32, #tpu.memory_space<vmem_shared>> -> memref<4x8x16xf32, #tpu.memory_space<vmem_shared>>
        %dma_wait3A_467 = arith.constant 0 : i32
        %dma_wait3A_468 = arith.constant 0 : i32
        %dma_wait3A_469 = tpu.memref_slice %arg8[%arg1, %dma_wait3A_467, %dma_wait3A_468] : memref<16x8x16xf32, #tpu.memory_space<vmem_shared>> -> memref<4x8x16xf32, #tpu.memory_space<vmem_shared>>
        tpu.wait_dma2 semaphore(%run_scoped3A : memref<!tpu.dma_semaphore, #tpu.memory_space<semaphore_mem>>) src(%dma_wait3A_469 : memref<4x8x16xf32, #tpu.memory_space<vmem_shared>>) dst(%arg6 : memref<4x8x16xf32, #tpu.memory_space<vmem>>)
        tpu.yield
      }) : () -> ()
      %get3A = arith.constant 0 : i32
      %get3A_117 = arith.constant 0 : i32
      %get3A_118 = arith.index_cast %get3A : i32 to index
      %get3A_119 = arith.index_cast %get3A_117 : i32 to index
      %get3A_120 = arith.constant 0 : index
      %get3A_121 = tpu.vector_load %arg6[%get3A_118, %get3A_119, %get3A_120] {strides = array<i32>} : memref<4x8x16xf32, #tpu.memory_space<vmem>>, vector<16xf32>,
      %get3A_122 = arith.constant 1 : i32
      %get3A_123 = arith.constant 0 : i32
      %get3A_124 = arith.index_cast %get3A_122 : i32 to index
      %get3A_125 = arith.index_cast %get3A_123 : i32 to index
      %get3A_126 = arith.constant 0 : index
      %get3A_127 = tpu.vector_load %arg6[%get3A_124, %get3A_125, %get3A_126] {strides = array<i32>} : memref<4x8x16xf32, #tpu.memory_space<vmem>>, vector<16xf32>,
      %add3A_128 = arith.addf %get3A_121, %get3A_127 : vector<16xf32>
      %get3A_129 = arith.constant 2 : i32
      %get3A_130 = arith.constant 0 : i32
      %get3A_131 = arith.index_cast %get3A_129 : i32 to index
      %get3A_132 = arith.index_cast %get3A_130 : i32 to index
      %get3A_133 = arith.constant 0 : index
      %get3A_134 = tpu.vector_load %arg6[%get3A_131, %get3A_132, %get3A_133] {strides = array<i32>} : memref<4x8x16xf32, #tpu.memory_space<vmem>>, vector<16xf32>,
      %add3A_135 = arith.addf %add3A_128, %get3A_134 : vector<16xf32>
      %get3A_136 = arith.constant 3 : i32
      %get3A_137 = arith.constant 0 : i32
      %get3A_138 = arith.index_cast %get3A_136 : i32 to index
      %get3A_139 = arith.index_cast %get3A_137 : i32 to index
      %get3A_140 = arith.constant 0 : index
      %get3A_141 = tpu.vector_load %arg6[%get3A_138, %get3A_139, %get3A_140] {strides = array<i32>} : memref<4x8x16xf32, #tpu.memory_space<vmem>>, vector<16xf32>,
      %add3A_142 = arith.addf %add3A_135, %get3A_141 : vector<16xf32>
      %get3A_143 = arith.constant 0 : i32
      %get3A_144 = arith.constant 1 : i32
      %get3A_145 = arith.index_cast %get3A_143 : i32 to index
      %get3A_146 = arith.index_cast %get3A_144 : i32 to index
      %get3A_147 = arith.constant 0 : index
      %get3A_148 = tpu.vector_load %arg6[%get3A_145, %get3A_146, %get3A_147] {strides = array<i32>} : memref<4x8x16xf32, #tpu.memory_space<vmem>>, vector<16xf32>,
      %get3A_149 = arith.constant 1 : i32
      %get3A_150 = arith.constant 1 : i32
      %get3A_151 = arith.index_cast %get3A_149 : i32 to index
      %get3A_152 = arith.index_cast %get3A_150 : i32 to index
      %get3A_153 = arith.constant 0 : index
      %get3A_154 = tpu.vector_load %arg6[%get3A_151, %get3A_152, %get3A_153] {strides = array<i32>} : memref<4x8x16xf32, #tpu.memory_space<vmem>>, vector<16xf32>,
      %add3A_155 = arith.addf %get3A_148, %get3A_154 : vector<16xf32>
      %get3A_156 = arith.constant 2 : i32
      %get3A_157 = arith.constant 1 : i32
      %get3A_158 = arith.index_cast %get3A_156 : i32 to index
      %get3A_159 = arith.index_cast %get3A_157 : i32 to index
      %get3A_160 = arith.constant 0 : index
      %get3A_161 = tpu.vector_load %arg6[%get3A_158, %get3A_159, %get3A_160] {strides = array<i32>} : memref<4x8x16xf32, #tpu.memory_space<vmem>>, vector<16xf32>,
      %add3A_162 = arith.addf %add3A_155, %get3A_161 : vector<16xf32>
      %get3A_163 = arith.constant 3 : i32
      %get3A_164 = arith.constant 1 : i32
      %get3A_165 = arith.index_cast %get3A_163 : i32 to index
      %get3A_166 = arith.index_cast %get3A_164 : i32 to index
      %get3A_167 = arith.constant 0 : index
      %get3A_168 = tpu.vector_load %arg6[%get3A_165, %get3A_166, %get3A_167] {strides = array<i32>} : memref<4x8x16xf32, #tpu.memory_space<vmem>>, vector<16xf32>,
      %add3A_169 = arith.addf %add3A_162, %get3A_168 : vector<16xf32>
      %get3A_170 = arith.constant 0 : i32
      %get3A_171 = arith.constant 2 : i32
      %get3A_172 = arith.index_cast %get3A_170 : i32 to index
      %get3A_173 = arith.index_cast %get3A_171 : i32 to index
      %get3A_174 = arith.constant 0 : index
      %get3A_175 = tpu.vector_load %arg6[%get3A_172, %get3A_173, %get3A_174] {strides = array<i32>} : memref<4x8x16xf32, #tpu.memory_space<vmem>>, vector<16xf32>,
      %get3A_176 = arith.constant 1 : i32
      %get3A_177 = arith.constant 2 : i32
      %get3A_178 = arith.index_cast %get3A_176 : i32 to index
      %get3A_179 = arith.index_cast %get3A_177 : i32 to index
      %get3A_180 = arith.constant 0 : index
      %get3A_181 = tpu.vector_load %arg6[%get3A_178, %get3A_179, %get3A_180] {strides = array<i32>} : memref<4x8x16xf32, #tpu.memory_space<vmem>>, vector<16xf32>,
      %add3A_182 = arith.addf %get3A_175, %get3A_181 : vector<16xf32>
      %get3A_183 = arith.constant 2 : i32
      %get3A_184 = arith.constant 2 : i32
      %get3A_185 = arith.index_cast %get3A_183 : i32 to index
      %get3A_186 = arith.index_cast %get3A_184 : i32 to index
      %get3A_187 = arith.constant 0 : index
      %get3A_188 = tpu.vector_load %arg6[%get3A_185, %get3A_186, %get3A_187] {strides = array<i32>} : memref<4x8x16xf32, #tpu.memory_space<vmem>>, vector<16xf32>,
      %add3A_189 = arith.addf %add3A_182, %get3A_188 : vector<16xf32>
      %get3A_190 = arith.constant 3 : i32
      %get3A_191 = arith.constant 2 : i32
      %get3A_192 = arith.index_cast %get3A_190 : i32 to index
      %get3A_193 = arith.index_cast %get3A_191 : i32 to index
      %get3A_194 = arith.constant 0 : index
      %get3A_195 = tpu.vector_load %arg6[%get3A_192, %get3A_193, %get3A_194] {strides = array<i32>} : memref<4x8x16xf32, #tpu.memory_space<vmem>>, vector<16xf32>,
      %add3A_196 = arith.addf %add3A_189, %get3A_195 : vector<16xf32>
      %get3A_197 = arith.constant 0 : i32
      %get3A_198 = arith.constant 3 : i32
      %get3A_199 = arith.index_cast %get3A_197 : i32 to index
      %get3A_200 = arith.index_cast %get3A_198 : i32 to index
      %get3A_201 = arith.constant 0 : index
      %get3A_202 = tpu.vector_load %arg6[%get3A_199, %get3A_200, %get3A_201] {strides = array<i32>} : memref<4x8x16xf32, #tpu.memory_space<vmem>>, vector<16xf32>,
      %get3A_203 = arith.constant 1 : i32
      %get3A_204 = arith.constant 3 : i32
      %get3A_205 = arith.index_cast %get3A_203 : i32 to index
      %get3A_206 = arith.index_cast %get3A_204 : i32 to index
      %get3A_207 = arith.constant 0 : index
      %get3A_208 = tpu.vector_load %arg6[%get3A_205, %get3A_206, %get3A_207] {strides = array<i32>} : memref<4x8x16xf32, #tpu.memory_space<vmem>>, vector<16xf32>,
      %add3A_209 = arith.addf %get3A_202, %get3A_208 : vector<16xf32>
      %get3A_210 = arith.constant 2 : i32
      %get3A_211 = arith.constant 3 : i32
      %get3A_212 = arith.index_cast %get3A_210 : i32 to index
      %get3A_213 = arith.index_cast %get3A_211 : i32 to index
      %get3A_214 = arith.constant 0 : index
      %get3A_215 = tpu.vector_load %arg6[%get3A_212, %get3A_213, %get3A_214] {strides = array<i32>} : memref<4x8x16xf32, #tpu.memory_space<vmem>>, vector<16xf32>,
      %add3A_216 = arith.addf %add3A_209, %get3A_215 : vector<16xf32>
      %get3A_217 = arith.constant 3 : i32
      %get3A_218 = arith.constant 3 : i32
      %get3A_219 = arith.index_cast %get3A_217 : i32 to index
      %get3A_220 = arith.index_cast %get3A_218 : i32 to index
      %get3A_221 = arith.constant 0 : index
      %get3A_222 = tpu.vector_load %arg6[%get3A_219, %get3A_220, %get3A_221] {strides = array<i32>} : memref<4x8x16xf32, #tpu.memory_space<vmem>>, vector<16xf32>,
      %add3A_223 = arith.addf %add3A_216, %get3A_222 : vector<16xf32>
      %get3A_224 = arith.constant 0 : i32
      %get3A_225 = arith.constant 4 : i32
      %get3A_226 = arith.index_cast %get3A_224 : i32 to index
      %get3A_227 = arith.index_cast %get3A_225 : i32 to index
      %get3A_228 = arith.constant 0 : index
      %get3A_229 = tpu.vector_load %arg6[%get3A_226, %get3A_227, %get3A_228] {strides = array<i32>} : memref<4x8x16xf32, #tpu.memory_space<vmem>>, vector<16xf32>,
      %get3A_230 = arith.constant 1 : i32
      %get3A_231 = arith.constant 4 : i32
      %get3A_232 = arith.index_cast %get3A_230 : i32 to index
      %get3A_233 = arith.index_cast %get3A_231 : i32 to index
      %get3A_234 = arith.constant 0 : index
      %get3A_235 = tpu.vector_load %arg6[%get3A_232, %get3A_233, %get3A_234] {strides = array<i32>} : memref<4x8x16xf32, #tpu.memory_space<vmem>>, vector<16xf32>,
      %min3A = arith.minimumf %get3A_229, %get3A_235 : vector<16xf32>
      %get3A_236 = arith.constant 2 : i32
      %get3A_237 = arith.constant 4 : i32
      %get3A_238 = arith.index_cast %get3A_236 : i32 to index
      %get3A_239 = arith.index_cast %get3A_237 : i32 to index
      %get3A_240 = arith.constant 0 : index
      %get3A_241 = tpu.vector_load %arg6[%get3A_238, %get3A_239, %get3A_240] {strides = array<i32>} : memref<4x8x16xf32, #tpu.memory_space<vmem>>, vector<16xf32>,
      %get3A_242 = arith.constant 3 : i32
      %get3A_243 = arith.constant 4 : i32
      %get3A_244 = arith.index_cast %get3A_242 : i32 to index
      %get3A_245 = arith.index_cast %get3A_243 : i32 to index
      %get3A_246 = arith.constant 0 : index
      %get3A_247 = tpu.vector_load %arg6[%get3A_244, %get3A_245, %get3A_246] {strides = array<i32>} : memref<4x8x16xf32, #tpu.memory_space<vmem>>, vector<16xf32>,
      %min3A_248 = arith.minimumf %get3A_241, %get3A_247 : vector<16xf32>
      %min3A_249 = arith.minimumf %min3A, %min3A_248 : vector<16xf32>
      %get3A_250 = arith.constant 0 : i32
      %get3A_251 = arith.constant 5 : i32
      %get3A_252 = arith.index_cast %get3A_250 : i32 to index
      %get3A_253 = arith.index_cast %get3A_251 : i32 to index
      %get3A_254 = arith.constant 0 : index
      %get3A_255 = tpu.vector_load %arg6[%get3A_252, %get3A_253, %get3A_254] {strides = array<i32>} : memref<4x8x16xf32, #tpu.memory_space<vmem>>, vector<16xf32>,
      %get3A_256 = arith.constant 1 : i32
      %get3A_257 = arith.constant 5 : i32
      %get3A_258 = arith.index_cast %get3A_256 : i32 to index
      %get3A_259 = arith.index_cast %get3A_257 : i32 to index
      %get3A_260 = arith.constant 0 : index
      %get3A_261 = tpu.vector_load %arg6[%get3A_258, %get3A_259, %get3A_260] {strides = array<i32>} : memref<4x8x16xf32, #tpu.memory_space<vmem>>, vector<16xf32>,
      %max3A = arith.maximumf %get3A_255, %get3A_261 : vector<16xf32>
      %get3A_262 = arith.constant 2 : i32
      %get3A_263 = arith.constant 5 : i32
      %get3A_264 = arith.index_cast %get3A_262 : i32 to index
      %get3A_265 = arith.index_cast %get3A_263 : i32 to index
      %get3A_266 = arith.constant 0 : index
      %get3A_267 = tpu.vector_load %arg6[%get3A_264, %get3A_265, %get3A_266] {strides = array<i32>} : memref<4x8x16xf32, #tpu.memory_space<vmem>>, vector<16xf32>,
      %get3A_268 = arith.constant 3 : i32
      %get3A_269 = arith.constant 5 : i32
      %get3A_270 = arith.index_cast %get3A_268 : i32 to index
      %get3A_271 = arith.index_cast %get3A_269 : i32 to index
      %get3A_272 = arith.constant 0 : index
      %get3A_273 = tpu.vector_load %arg6[%get3A_270, %get3A_271, %get3A_272] {strides = array<i32>} : memref<4x8x16xf32, #tpu.memory_space<vmem>>, vector<16xf32>,
      %max3A_274 = arith.maximumf %get3A_267, %get3A_273 : vector<16xf32>
      %max3A_275 = arith.maximumf %max3A, %max3A_274 : vector<16xf32>
      %get3A_276 = arith.constant 0 : i32
      %get3A_277 = arith.constant 6 : i32
      %get3A_278 = arith.index_cast %get3A_276 : i32 to index
      %get3A_279 = arith.index_cast %get3A_277 : i32 to index
      %get3A_280 = arith.constant 0 : index
      %get3A_281 = tpu.vector_load %arg6[%get3A_278, %get3A_279, %get3A_280] {strides = array<i32>} : memref<4x8x16xf32, #tpu.memory_space<vmem>>, vector<16xf32>,
      %get3A_282 = arith.constant 1 : i32
      %get3A_283 = arith.constant 6 : i32
      %get3A_284 = arith.index_cast %get3A_282 : i32 to index
      %get3A_285 = arith.index_cast %get3A_283 : i32 to index
      %get3A_286 = arith.constant 0 : index
      %get3A_287 = tpu.vector_load %arg6[%get3A_284, %get3A_285, %get3A_286] {strides = array<i32>} : memref<4x8x16xf32, #tpu.memory_space<vmem>>, vector<16xf32>,
      %min3A_288 = arith.minimumf %get3A_281, %get3A_287 : vector<16xf32>
      %get3A_289 = arith.constant 2 : i32
      %get3A_290 = arith.constant 6 : i32
      %get3A_291 = arith.index_cast %get3A_289 : i32 to index
      %get3A_292 = arith.index_cast %get3A_290 : i32 to index
      %get3A_293 = arith.constant 0 : index
      %get3A_294 = tpu.vector_load %arg6[%get3A_291, %get3A_292, %get3A_293] {strides = array<i32>} : memref<4x8x16xf32, #tpu.memory_space<vmem>>, vector<16xf32>,
      %get3A_295 = arith.constant 3 : i32
      %get3A_296 = arith.constant 6 : i32
      %get3A_297 = arith.index_cast %get3A_295 : i32 to index
      %get3A_298 = arith.index_cast %get3A_296 : i32 to index
      %get3A_299 = arith.constant 0 : index
      %get3A_300 = tpu.vector_load %arg6[%get3A_297, %get3A_298, %get3A_299] {strides = array<i32>} : memref<4x8x16xf32, #tpu.memory_space<vmem>>, vector<16xf32>,
      %min3A_301 = arith.minimumf %get3A_294, %get3A_300 : vector<16xf32>
      %min3A_302 = arith.minimumf %min3A_288, %min3A_301 : vector<16xf32>
      %get3A_303 = arith.constant 0 : i32
      %get3A_304 = arith.constant 7 : i32
      %get3A_305 = arith.index_cast %get3A_303 : i32 to index
      %get3A_306 = arith.index_cast %get3A_304 : i32 to index
      %get3A_307 = arith.constant 0 : index
      %get3A_308 = tpu.vector_load %arg6[%get3A_305, %get3A_306, %get3A_307] {strides = array<i32>} : memref<4x8x16xf32, #tpu.memory_space<vmem>>, vector<16xf32>,
      %get3A_309 = arith.constant 1 : i32
      %get3A_310 = arith.constant 7 : i32
      %get3A_311 = arith.index_cast %get3A_309 : i32 to index
      %get3A_312 = arith.index_cast %get3A_310 : i32 to index
      %get3A_313 = arith.constant 0 : index
      %get3A_314 = tpu.vector_load %arg6[%get3A_311, %get3A_312, %get3A_313] {strides = array<i32>} : memref<4x8x16xf32, #tpu.memory_space<vmem>>, vector<16xf32>,
      %max3A_315 = arith.maximumf %get3A_308, %get3A_314 : vector<16xf32>
      %get3A_316 = arith.constant 2 : i32
      %get3A_317 = arith.constant 7 : i32
      %get3A_318 = arith.index_cast %get3A_316 : i32 to index
      %get3A_319 = arith.index_cast %get3A_317 : i32 to index
      %get3A_320 = arith.constant 0 : index
      %get3A_321 = tpu.vector_load %arg6[%get3A_318, %get3A_319, %get3A_320] {strides = array<i32>} : memref<4x8x16xf32, #tpu.memory_space<vmem>>, vector<16xf32>,
      %get3A_322 = arith.constant 3 : i32
      %get3A_323 = arith.constant 7 : i32
      %get3A_324 = arith.index_cast %get3A_322 : i32 to index
      %get3A_325 = arith.index_cast %get3A_323 : i32 to index
      %get3A_326 = arith.constant 0 : index
      %get3A_327 = tpu.vector_load %arg6[%get3A_324, %get3A_325, %get3A_326] {strides = array<i32>} : memref<4x8x16xf32, #tpu.memory_space<vmem>>, vector<16xf32>,
      %max3A_328 = arith.maximumf %get3A_321, %get3A_327 : vector<16xf32>
      %max3A_329 = arith.maximumf %max3A_315, %max3A_328 : vector<16xf32>
      %reduce_max3A = arith.constant true
      %reduce_max3A_330 = vector.broadcast %reduce_max3A : i1 to vector<16xi1>
      %reduce_max3A_331 = tpu.scan <max>, %add3A_142 masked %reduce_max3A_330 : vector<16xf32>, vector<16xi1> -> vector<16xf32>
      %reduce_max3A_332 = vector.extract %reduce_max3A_331[15] : f32 from vector<16xf32>
      %reduce_max3A_333 = arith.constant true
      %reduce_max3A_334 = vector.broadcast %reduce_max3A_333 : i1 to vector<16xi1>
      %reduce_max3A_335 = tpu.scan <max>, %add3A_169 masked %reduce_max3A_334 : vector<16xf32>, vector<16xi1> -> vector<16xf32>
      %reduce_max3A_336 = vector.extract %reduce_max3A_335[15] : f32 from vector<16xf32>
      %reduce_sum3A = arith.constant true
      %reduce_sum3A_337 = vector.broadcast %reduce_sum3A : i1 to vector<16xi1>
      %reduce_sum3A_338 = tpu.scan <sum>, %add3A_196 masked %reduce_sum3A_337 : vector<16xf32>, vector<16xi1> -> vector<16xf32>
      %reduce_sum3A_339 = vector.extract %reduce_sum3A_338[15] : f32 from vector<16xf32>
      %reduce_sum3A_340 = arith.constant true
      %reduce_sum3A_341 = vector.broadcast %reduce_sum3A_340 : i1 to vector<16xi1>
      %reduce_sum3A_342 = tpu.scan <sum>, %add3A_223 masked %reduce_sum3A_341 : vector<16xf32>, vector<16xi1> -> vector<16xf32>
      %reduce_sum3A_343 = vector.extract %reduce_sum3A_342[15] : f32 from vector<16xf32>
      %reduce_min3A = arith.constant true
      %reduce_min3A_344 = vector.broadcast %reduce_min3A : i1 to vector<16xi1>
      %reduce_min3A_345 = tpu.scan <min>, %min3A_249 masked %reduce_min3A_344 : vector<16xf32>, vector<16xi1> -> vector<16xf32>
      %reduce_min3A_346 = vector.extract %reduce_min3A_345[15] : f32 from vector<16xf32>
      %reduce_max3A_347 = arith.constant true
      %reduce_max3A_348 = vector.broadcast %reduce_max3A_347 : i1 to vector<16xi1>
      %reduce_max3A_349 = tpu.scan <max>, %max3A_275 masked %reduce_max3A_348 : vector<16xf32>, vector<16xi1> -> vector<16xf32>
      %reduce_max3A_350 = vector.extract %reduce_max3A_349[15] : f32 from vector<16xf32>
      %reduce_min3A_351 = arith.constant true
      %reduce_min3A_352 = vector.broadcast %reduce_min3A_351 : i1 to vector<16xi1>
      %reduce_min3A_353 = tpu.scan <min>, %min3A_302 masked %reduce_min3A_352 : vector<16xf32>, vector<16xi1> -> vector<16xf32>
      %reduce_min3A_354 = vector.extract %reduce_min3A_353[15] : f32 from vector<16xf32>
      %reduce_max3A_355 = arith.constant true
      %reduce_max3A_356 = vector.broadcast %reduce_max3A_355 : i1 to vector<16xi1>
      %reduce_max3A_357 = tpu.scan <max>, %max3A_329 masked %reduce_max3A_356 : vector<16xf32>, vector<16xi1> -> vector<16xf32>
      %reduce_max3A_358 = vector.extract %reduce_max3A_357[15] : f32 from vector<16xf32>
      %add3A_359 = arith.addf %reduce_max3A_332, %reduce_max3A_336 : f32
      %gt3A = arith.constant 0.000000e+00 : f32
      %gt3A_360 = arith.cmpf ogt, %reduce_max3A_332, %gt3A : f32
      %sub3A_361 = arith.subf %reduce_max3A_358, %reduce_min3A_354 : f32
      %jit3A_362 = arith.constant 0.000000e+00 : f32
      %select_n3A_363 = arith.select %gt3A_360, %sub3A_361, %jit3A_362 : f32
      %sub3A_364 = arith.subf %reduce_max3A_350, %reduce_min3A_346 : f32
      %jit3A_365 = arith.constant 0.000000e+00 : f32
      %select_n3A_366 = arith.select %gt3A_360, %sub3A_364, %jit3A_365 : f32
      %add3A_367 = arith.addf %select_n3A_363, %select_n3A_366 : f32
      %mul3A_368 = arith.constant 2.000000e+00 : f32
      %mul3A_369 = arith.mulf %mul3A_368, %add3A_367 : f32
      %jit3A_370 = arith.constant 0.000000e+00 : f32
      %select_n3A_371 = arith.select %gt3A_360, %reduce_sum3A_339, %jit3A_370 : f32
      %add3A_372 = arith.constant 9.99999997E-7 : f32
      %add3A_373 = arith.addf %reduce_max3A_336, %add3A_372 : f32
      %add3A_374 = arith.constant 9.99999997E-7 : f32
      %add3A_375 = arith.addf %add3A_359, %add3A_374 : f32
      %add3A_376 = arith.constant 9.99999997E-7 : f32
      %add3A_377 = arith.addf %reduce_max3A_332, %add3A_376 : f32
      %iota3A_378 = tpu.iota {dimensions = array<i32: 0>} : vector<16xi32>
      %eq3A_379 = arith.constant 0 : i32
      %eq3A_380 = vector.broadcast %eq3A_379 : i32 to vector<16xi32>
      %eq3A_381 = arith.cmpi eq, %iota3A_378, %eq3A_380 : vector<16xi32>
      %broadcast_in_dim3A_382 = vector.broadcast %reduce_max3A_332 : f32 to vector<16xf32>
      %select_n3A_383 = arith.select %eq3A_381, %broadcast_in_dim3A_382, %broadcast_in_dim3A_33 : vector<16xi1>, vector<16xf32>
      %broadcast_in_dim3A_384 = vector.broadcast %add3A_373 : f32 to vector<16xf32>
      %select_n3A_385 = arith.select %eq3A_381, %broadcast_in_dim3A_384, %broadcast_in_dim3A_35 : vector<16xi1>, vector<16xf32>
      %eq3A_386 = arith.constant 1 : i32
      %eq3A_387 = vector.broadcast %eq3A_386 : i32 to vector<16xi32>
      %eq3A_388 = arith.cmpi eq, %iota3A_378, %eq3A_387 : vector<16xi32>
      %broadcast_in_dim3A_389 = vector.broadcast %reduce_max3A_332 : f32 to vector<16xf32>
      %select_n3A_390 = arith.select %eq3A_388, %broadcast_in_dim3A_389, %select_n3A_383 : vector<16xi1>, vector<16xf32>
      %broadcast_in_dim3A_391 = vector.broadcast %add3A_375 : f32 to vector<16xf32>
      %select_n3A_392 = arith.select %eq3A_388, %broadcast_in_dim3A_391, %select_n3A_385 : vector<16xi1>, vector<16xf32>
      %eq3A_393 = arith.constant 2 : i32
      %eq3A_394 = vector.broadcast %eq3A_393 : i32 to vector<16xi32>
      %eq3A_395 = arith.cmpi eq, %iota3A_378, %eq3A_394 : vector<16xi32>
      %broadcast_in_dim3A_396 = vector.broadcast %reduce_sum3A_339 : f32 to vector<16xf32>
      %select_n3A_397 = arith.select %eq3A_395, %broadcast_in_dim3A_396, %select_n3A_390 : vector<16xi1>, vector<16xf32>
      %jit3A_398 = arith.constant 1.000000e+00 : f32
      %broadcast_in_dim3A_399 = vector.broadcast %jit3A_398 : f32 to vector<16xf32>
      %select_n3A_400 = arith.select %eq3A_395, %broadcast_in_dim3A_399, %select_n3A_392 : vector<16xi1>, vector<16xf32>
      %eq3A_401 = arith.constant 3 : i32
      %eq3A_402 = vector.broadcast %eq3A_401 : i32 to vector<16xi32>
      %eq3A_403 = arith.cmpi eq, %iota3A_378, %eq3A_402 : vector<16xi32>
      %broadcast_in_dim3A_404 = vector.broadcast %select_n3A_363 : f32 to vector<16xf32>
      %select_n3A_405 = arith.select %eq3A_403, %broadcast_in_dim3A_404, %select_n3A_397 : vector<16xi1>, vector<16xf32>
      %jit3A_406 = arith.constant 5.120000e+02 : f32
      %broadcast_in_dim3A_407 = vector.broadcast %jit3A_406 : f32 to vector<16xf32>
      %select_n3A_408 = arith.select %eq3A_403, %broadcast_in_dim3A_407, %select_n3A_400 : vector<16xi1>, vector<16xf32>
      %eq3A_409 = arith.constant 4 : i32
      %eq3A_410 = vector.broadcast %eq3A_409 : i32 to vector<16xi32>
      %eq3A_411 = arith.cmpi eq, %iota3A_378, %eq3A_410 : vector<16xi32>
      %broadcast_in_dim3A_412 = vector.broadcast %select_n3A_366 : f32 to vector<16xf32>
      %select_n3A_413 = arith.select %eq3A_411, %broadcast_in_dim3A_412, %select_n3A_405 : vector<16xi1>, vector<16xf32>
      %jit3A_414 = arith.constant 5.120000e+02 : f32
      %broadcast_in_dim3A_415 = vector.broadcast %jit3A_414 : f32 to vector<16xf32>
      %select_n3A_416 = arith.select %eq3A_411, %broadcast_in_dim3A_415, %select_n3A_408 : vector<16xi1>, vector<16xf32>
      %eq3A_417 = arith.constant 5 : i32
      %eq3A_418 = vector.broadcast %eq3A_417 : i32 to vector<16xi32>
      %eq3A_419 = arith.cmpi eq, %iota3A_378, %eq3A_418 : vector<16xi32>
      %broadcast_in_dim3A_420 = vector.broadcast %mul3A_369 : f32 to vector<16xf32>
      %select_n3A_421 = arith.select %eq3A_419, %broadcast_in_dim3A_420, %select_n3A_413 : vector<16xi1>, vector<16xf32>
      %jit3A_422 = arith.constant 1.024000e+03 : f32
      %broadcast_in_dim3A_423 = vector.broadcast %jit3A_422 : f32 to vector<16xf32>
      %select_n3A_424 = arith.select %eq3A_419, %broadcast_in_dim3A_423, %select_n3A_416 : vector<16xi1>, vector<16xf32>
      %eq3A_425 = arith.constant 6 : i32
      %eq3A_426 = vector.broadcast %eq3A_425 : i32 to vector<16xi32>
      %eq3A_427 = arith.cmpi eq, %iota3A_378, %eq3A_426 : vector<16xi32>
      %broadcast_in_dim3A_428 = vector.broadcast %reduce_sum3A_343 : f32 to vector<16xf32>
      %select_n3A_429 = arith.select %eq3A_427, %broadcast_in_dim3A_428, %select_n3A_421 : vector<16xi1>, vector<16xf32>
      %jit3A_430 = arith.constant 1.000000e+00 : f32
      %broadcast_in_dim3A_431 = vector.broadcast %jit3A_430 : f32 to vector<16xf32>
      %select_n3A_432 = arith.select %eq3A_427, %broadcast_in_dim3A_431, %select_n3A_424 : vector<16xi1>, vector<16xf32>
      %eq3A_433 = arith.constant 7 : i32
      %eq3A_434 = vector.broadcast %eq3A_433 : i32 to vector<16xi32>
      %eq3A_435 = arith.cmpi eq, %iota3A_378, %eq3A_434 : vector<16xi32>
      %broadcast_in_dim3A_436 = vector.broadcast %select_n3A_371 : f32 to vector<16xf32>
      %select_n3A_437 = arith.select %eq3A_435, %broadcast_in_dim3A_436, %select_n3A_429 : vector<16xi1>, vector<16xf32>
      %broadcast_in_dim3A_438 = vector.broadcast %add3A_377 : f32 to vector<16xf32>
      %select_n3A_439 = arith.select %eq3A_435, %broadcast_in_dim3A_438, %select_n3A_432 : vector<16xi1>, vector<16xf32>
      %eq3A_440 = arith.constant 8 : i32
      %eq3A_441 = vector.broadcast %eq3A_440 : i32 to vector<16xi32>
      %eq3A_442 = arith.cmpi eq, %iota3A_378, %eq3A_441 : vector<16xi32>
      %broadcast_in_dim3A_443 = vector.broadcast %add3A_359 : f32 to vector<16xf32>
      %select_n3A_444 = arith.select %eq3A_442, %broadcast_in_dim3A_443, %select_n3A_437 : vector<16xi1>, vector<16xf32>
      %jit3A_445 = arith.constant 2.621440e+05 : f32
      %broadcast_in_dim3A_446 = vector.broadcast %jit3A_445 : f32 to vector<16xf32>
      %select_n3A_447 = arith.select %eq3A_442, %broadcast_in_dim3A_446, %select_n3A_439 : vector<16xi1>, vector<16xf32>
      %eq3A_448 = arith.constant 9 : i32
      %eq3A_449 = vector.broadcast %eq3A_448 : i32 to vector<16xi32>
      %eq3A_450 = arith.cmpi eq, %iota3A_378, %eq3A_449 : vector<16xi32>
      %broadcast_in_dim3A_451 = vector.broadcast %reduce_max3A_332 : f32 to vector<16xf32>
      %select_n3A_452 = arith.select %eq3A_450, %broadcast_in_dim3A_451, %select_n3A_444 : vector<16xi1>, vector<16xf32>
      %jit3A_453 = arith.constant 2.621440e+05 : f32
      %broadcast_in_dim3A_454 = vector.broadcast %jit3A_453 : f32 to vector<16xf32>
      %select_n3A_455 = arith.select %eq3A_450, %broadcast_in_dim3A_454, %select_n3A_447 : vector<16xi1>, vector<16xf32>
      %div3A_456 = arith.divf %select_n3A_452, %select_n3A_455 : vector<16xf32>
      %swap3A_457 = arith.constant 0 : index
      %swap3A_458 = tpu.vector_load %arg7[%swap3A_457] {strides = array<i32>} : memref<16xf32, #tpu.memory_space<vmem>>, vector<16xf32>,
      tpu.vector_store %arg7[%swap3A_457], %div3A_456 {strides = array<i32>} : memref<16xf32, #tpu.memory_space<vmem>>, vector<16xf32>,
      "tpu.region"() ({
        %run_scoped3A = tpu.sem_alloc : memref<!tpu.dma_semaphore, #tpu.memory_space<semaphore_mem>>
        %dma_start3A_459 = arith.constant 0 : i32
        %dma_start3A_460 = tpu.memref_slice %arg3[%add3A_30, %dma_start3A_459] : memref<8x16xf32, #tpu.memory_space<hbm>> -> memref<1x16xf32, #tpu.memory_space<hbm>>
        %dma_start3A_461 = tpu.memref_squeeze %dma_start3A_460 : memref<1x16xf32, #tpu.memory_space<hbm>> -> memref<16xf32, #tpu.memory_space<hbm>>
        %dma_start3A_462 = arith.constant 0 : i32
        %dma_start3A_463 = tpu.memref_slice %arg3[%add3A_30, %dma_start3A_462] : memref<8x16xf32, #tpu.memory_space<hbm>> -> memref<1x16xf32, #tpu.memory_space<hbm>>
        %dma_start3A_464 = tpu.memref_squeeze %dma_start3A_463 : memref<1x16xf32, #tpu.memory_space<hbm>> -> memref<16xf32, #tpu.memory_space<hbm>>
        tpu.enqueue_dma source(%arg7 : memref<16xf32, #tpu.memory_space<vmem>>) target(%dma_start3A_464 : memref<16xf32, #tpu.memory_space<hbm>>) target_semaphore(%run_scoped3A : memref<!tpu.dma_semaphore, #tpu.memory_space<semaphore_mem>>)
        %dma_wait3A = arith.constant 0 : i32
        %dma_wait3A_465 = tpu.memref_slice %arg3[%add3A_30, %dma_wait3A] : memref<8x16xf32, #tpu.memory_space<hbm>> -> memref<1x16xf32, #tpu.memory_space<hbm>>
        %dma_wait3A_466 = tpu.memref_squeeze %dma_wait3A_465 : memref<1x16xf32, #tpu.memory_space<hbm>> -> memref<16xf32, #tpu.memory_space<hbm>>
        %dma_wait3A_467 = arith.constant 0 : i32
        %dma_wait3A_468 = tpu.memref_slice %arg3[%add3A_30, %dma_wait3A_467] : memref<8x16xf32, #tpu.memory_space<hbm>> -> memref<1x16xf32, #tpu.memory_space<hbm>>
        %dma_wait3A_469 = tpu.memref_squeeze %dma_wait3A_468 : memref<1x16xf32, #tpu.memory_space<hbm>> -> memref<16xf32, #tpu.memory_space<hbm>>
        tpu.wait_dma2 semaphore(%run_scoped3A : memref<!tpu.dma_semaphore, #tpu.memory_space<semaphore_mem>>) src(%arg7 : memref<16xf32, #tpu.memory_space<vmem>>) dst(%dma_wait3A_469 : memref<16xf32, #tpu.memory_space<hbm>>)
        tpu.yield
      }) : () -> ()
    } else {
    }
    return
  }
}

</mosaic_0001>

<sc_bundles>
// kernel: kernel.3.cloned.1.call-start
scs
__scs_entry_jumppad:
0x0: {  	(pc) =	sbr.rel $0x88, $3  }
0x1: {  	(tag) =	ssettag $0x0;
	lr =	simm.s32 $0x1  }
0x2: {  	[smem:$0x3FA0] =	sst lr;
	_ =	strace $0xD0000000  }
0x3: {  	_ = 	snop  }
0x4: {  	_ = 	snop  }
0x5: {  	_ = 	snop  }
0x6: {  	_ = 	snop  }
0x7: {  	_ = 	snop  }
__scs_overlays_trampoline_lowered:
0x8: {  	[smem:$0x3FAF] =	sst s0  }
0x9: {  	[smem:$0x3FB0] =	sst s1  }
0xa: {  	[smem:$0x3FB1] =	sst s2  }
0xb: {  	[smem:$0x3FB2] =	sst s3  }
0xc: {  	[smem:$0x3FB3] =	sst s4  }
0xd: {  	[smem:$0x3FB4] =	sst s5  }
0xe: {  	[smem:$0x3FB5] =	sst s6  }
0xf: {  	[smem:$0x3FB6] =	sst s7  }
0x10: {  	[smem:$0x3FB7] =	sst s8  }
0x11: {  	[smem:$0x3FB8] =	sst s9;
	s0 =	simm.s32 @!p0 $0x0  }
0x12: {  	s1 =	sld [smem:$0x3F9E];
	s0 =	simm.s32 @p0 $0x1  }
0x13: {  	[smem:$0x3FB9] =	sst s0;
	s0 =	simm.s32 @!p1 $0x0  }
0x14: {  	s2 =	sld [smem:$0x3F9D];
	s0 =	simm.s32 @p1 $0x1  }
0x15: {  	[smem:$0x3FBA] =	sst s0;
	s0 =	simm.s32 @!p2 $0x0  }
0x16: {  	s3 =	sld [smem:$0x3FDB];
	s0 =	simm.s32 @p2 $0x1  }
0x17: {  	s4 =	simm.s32 $0x1BF5;
	[smem:$0x3FBC] =	sst s0  }
0x18: {  	s0 =	sld [smem:$0x3F9F];
	_ =	swait.ge [sflag:s4], $0x0  }
0x19: {  	s7 =	sld [smem:$0x3FA0]  }
0x1a: {  	s8 =	sadd.s32 $0xFFFFE003, lr  }
0x1b: {  	s9 =	sadd.s32 $0xFFFFFEF7, lr;
	s5 =	simm.s32 $0xFFFFFFFF;
	p2 =	slt.u32 s8, $0xFFFFF086  }
0x1c: {  	p1 =	slt.u32 s9, $0xF7A;
	s5 =	simm.s32 @!p2 $0x0  }
0x1d: {  	s5 =	simm.s32 @p1 $0x1;
	p0 =	seq.s32 s7, s2  }
0x1e: {  	s7 =	smul.u32 @!p0 $0xF7A, s2;
	p2 =	seq.s32 @!p0 s5, $0x0  }
0x1f: {  	s9 =	smul.u32 $0xF7A, s1;
	s8 =	simm.s32 @!p0 $0x1BF5;
	p2 =	por !p2, p0  }
0x20: {  	[sflag:s8] =	ssyncset.s32 @!p0 $0xFFFFF086;
	s6 =	sadd.s32 @!p0 s3, s7;
	s7 =	simm.s32 @!p0 $0x108  }
0x21: {  	s3 =	sadd.s32 s3, s9;
	s6 =	sadd.s32 @!p0 $0x88, s6;
	s7 =	simm.s32 @p2 $0x1082  }
0x22: {  	[simem:s7], [sflag:s8] =	dma.local @!p0 [hbm:s6], $0xF7A  }
0x23: {  	s9 =	sor.u32 $0xD0000000, s2;
	s6 =	simm.s32 $0x108;
	_ =	swait.ge @!p0 [sflag:s8], $0x0  }
0x24: {  	s3 =	sadd.s32 $0x88, s3;
	s6 =	simm.s32 @!p1 $0x1082;
	[sflag:s4] =	ssyncset.s32 $0xFFFFF086  }
0x25: {  	[simem:s6], [sflag:s4] =	dma.local [hbm:s3], $0xF7A  }
0x26: {  	[smem:$0x3FA0] =	sst s1;
	(tag) =	ssettag s2;
	_ =	strace s9  }
0x27: {  	s1 =	sld [smem:$0x3FB0]  }
0x28: {  	s2 =	sld [smem:$0x3FB1]  }
0x29: {  	s4 =	sld [smem:$0x3FB3]  }
0x2a: {  	p0 =	seq.s32 s5, $0x0;
	s5 =	sld [smem:$0x3FB4]  }
0x2b: {  	s6 =	sld [smem:$0x3FB5]  }
0x2c: {  	s7 =	sld [smem:$0x3FB6]  }
0x2d: {  	s3 =	simm.s32 $0x108;
	s8 =	sld [smem:$0x3FB7]  }
0x2e: {  	s3 =	simm.s32 @!p0 $0x1082;
	s9 =	sld [smem:$0x3FB8]  }
0x2f: {  	lr =	sadd.s32 s0, s3;
	s0 =	sld [smem:$0x3FAF]  }
0x30: {  	s3 =	sld [smem:$0x3FB2]  }
0x31: {  	[smem:$0x3FBB] =	sst s10  }
0x32: {  	s10 =	sld [smem:$0x3FB9];
	_ =	sdelay $0x3  }
0x33: {  	p0 =	seq.s32 s10, $0x1;
	s10 =	sld [smem:$0x3FBB];
	_ =	sdelay $0x3  }
0x34: {  	[smem:$0x3FBB] =	sst s10  }
0x35: {  	s10 =	sld [smem:$0x3FBA];
	_ =	sdelay $0x3  }
0x36: {  	p1 =	seq.s32 s10, $0x1;
	s10 =	sld [smem:$0x3FBB];
	_ =	sdelay $0x3  }
0x37: {  	[smem:$0x3FBB] =	sst s10  }
0x38: {  	s10 =	sld [smem:$0x3FBC]  }
0x39: {  	_ = 	snop;
	(pc) =	sbr.ind lr, $3  }
0x3a: {  	_ = 	snop  }
0x3b: {  	_ = 	snop  }
0x3c: {  	p2 =	seq.s32 s10, $0x1;
	s10 =	sld [smem:$0x3FBB]  }
0x3d: {  	_ =	shalt  }
0x3e: {  	_ =	shalt  }
0x3f: {  	_ =	shalt  }
0x40: {  	_ =	shalt  }
0x41: {  	_ =	shalt  }
0x42: {  	_ =	shalt  }
0x43: {  	_ =	shalt  }
0x44: {  	_ =	shalt  }
0x45: {  	_ =	shalt  }
0x46: {  	_ =	shalt  }
0x47: {  	_ =	shalt  }
0x48: {  	_ =	shalt  }
0x49: {  	_ =	shalt  }
0x4a: {  	_ =	shalt  }
0x4b: {  	_ =	shalt  }
0x4c: {  	_ =	shalt  }
0x4d: {  	_ =	shalt  }
0x4e: {  	_ =	shalt  }
0x4f: {  	_ =	shalt  }
0x50: {  	_ =	shalt  }
0x51: {  	_ =	shalt  }
0x52: {  	_ =	shalt  }
0x53: {  	_ =	shalt  }
0x54: {  	_ =	shalt  }
0x55: {  	_ =	shalt  }
0x56: {  	_ =	shalt  }
0x57: {  	_ =	shalt  }
0x58: {  	_ =	shalt  }
0x59: {  	_ =	shalt  }
0x5a: {  	_ =	shalt  }
0x5b: {  	_ =	shalt  }
0x5c: {  	_ =	shalt  }
0x5d: {  	_ =	shalt  }
0x5e: {  	_ =	shalt  }
0x5f: {  	_ =	shalt  }
0x60: {  	_ =	shalt  }
0x61: {  	_ =	shalt  }
0x62: {  	_ =	shalt  }
0x63: {  	_ =	shalt  }
0x64: {  	_ =	shalt  }
0x65: {  	_ =	shalt  }
0x66: {  	_ =	shalt  }
0x67: {  	_ =	shalt  }
0x68: {  	_ =	shalt  }
0x69: {  	_ =	shalt  }
0x6a: {  	_ =	shalt  }
0x6b: {  	_ =	shalt  }
0x6c: {  	_ =	shalt  }
0x6d: {  	_ =	shalt  }
0x6e: {  	_ =	shalt  }
0x6f: {  	_ =	shalt  }
0x70: {  	_ =	shalt  }
0x71: {  	_ =	shalt  }
0x72: {  	_ =	shalt  }
0x73: {  	_ =	shalt  }
0x74: {  	_ =	shalt  }
0x75: {  	_ =	shalt  }
0x76: {  	_ =	shalt  }
0x77: {  	_ =	shalt  }
0x78: {  	_ =	shalt  }
0x79: {  	_ =	shalt  }
0x7a: {  	_ =	shalt  }
0x7b: {  	_ =	shalt  }
0x7c: {  	_ =	shalt  }
0x7d: {  	_ =	shalt  }
0x7e: {  	_ =	shalt  }
0x7f: {  	_ =	shalt  }
0x80: {  	_ =	shalt  }
0x81: {  	_ =	shalt  }
0x82: {  	_ =	shalt  }
0x83: {  	_ =	shalt  }
0x84: {  	_ =	shalt  }
0x85: {  	_ =	shalt  }
0x86: {  	_ =	shalt  }
0x87: {  	_ =	shalt  }
.Lfunc_end0:
.L_simem_size_0:
called_computation_lowered:
.L_overlay_start_0:
0x88: {  	s2 =	sld [smem:$0x3FD9]  }
0x89: {  	s3 =	sld [smem:$0x3FFE];
	_ =	sdelay $0x1  }
0x8a: {  	s1 =	srdreg.scid  }
0x8b: {  	s0 =	sand.u32 $0x1, s1  }
0x8c: {  	s18 =	sshll.u32 s0, $0xA;
	s2 =	sadd.s32 s3, s2  }
0x8d: {  	s2 =	sadd.s32 s2, s18  }
0x8e: {  	[smem:$0x3FC7] =	sst s2  }
0x8f: {  	_ = 	snop  }
0x90: {  	s2 =	sld [smem:$0x3FC9]  }
0x91: {  	s19 =	sld [smem:$0x3FD0];
	(tm) =	ssettm $0x1  }
0x92: {  	s4 =	sld [smem:$0x3FFB];
	_ =	sdelay $0x3  }
0x93: {  	_ =	strace s4  }
0x94: {  	s4 =	sld [smem:$0x3FFC];
	_ =	sdelay $0x3  }
0x95: {  	_ =	strace s4  }
0x96: {  	s4 =	sld [smem:$0x3FFD];
	_ =	sdelay $0x3  }
0x97: {  	_ =	strace s4  }
0x98: {  	_ =	strace $0x8FFFFFFF  }
0x99: {  	s20 =	sld [smem:$0x3FDB];
	_ =	sdelay $0x1  }
0x9a: {  	s5 =	simm.s32 $_scs_section_size  }
0x9b: {  	s6 =	simm.s32 $_size__tile_overlayer_lowered;
	s7 =	simm.s32 $_tile_overlayer_lowered  }
0x9c: {  	s23 =	simm.s32 $0x1BFF;
	s22 =	sshll.u32 s7, $0x1;
	s4 =	sadd.s32 s5, s20  }
0x9d: {  	s8 =	simm.s32 $0x0;
	s21 =	sshll.u32 s6, $0x1;
	s6 =	sadd.s32 s22, s4  }
0x9e: {  	[timem:s8], [sflag:s23] =	dma.local [hbm:s6], s21  }
0x9f: {  	_ =	swait.ge [sflag:s23], s21  }
0xa0: {  	s5 =	ssub.s32 $0x0, s21;
	[sflag:s23] =	ssyncset.done $0x0  }
0xa1: {  	[sflag:s23] =	ssyncadd.s32 s5;
	_ =	sdelay $0x1  }
0xa2: {  	s24 =	simm.s32 $0x1B8B  }
0xa3: {  	_ =	swait.ge [sflag:s24], $0x1  }
0xa4: {  	[sflag:s24] =	ssyncset.done $0x0  }
0xa5: {  	s25 =	simm.s32 $0x1B8E;
	[sflag:s24] =	ssyncadd.s32 $0xFFFFFFFF  }
0xa6: {  	s26 =	simm.s32 $execute0_lowered;
	[smem:$0x3FD2] =	sst s25  }
0xa7: {  	s5 =	sshll.u32 s26, $0x1;
	_ =	strace $0x80000046;
	[dreg:$0x1] =	wrdreg $0xFFFFFFFF  }
0xa8: {  	s28 =	simm.s32 $_size_execute0_lowered;
	s4 =	sadd.s32 s4, s5;
	[dreg:$0x0] =	wrdreg $0x0  }
0xa9: {  	s5 =	sshll.u32 s28, $0x1;
	[dreg:$0x2] =	wrdreg s4  }
0xaa: {  	[dreg:$0x3] =	wrdreg s5  }
0xab: {  	[dreg:$0x4] =	wrdreg $0xC0  }
0xac: {  	_ =	task [dreg:s8], $0x5FFFF  }
0xad: {  	[dreg:$0x1] =	wrdreg $0xFFFFFFFF  }
0xae: {  	[dreg:$0x0] =	wrdreg $0x60  }
0xaf: {  	[dreg:$0x2] =	wrdreg s2  }
0xb0: {  	[dreg:$0x3] =	wrdreg s19  }
0xb1: {  	[dreg:$0x4] =	wrdreg $0xD4800  }
0xb2: {  	[dreg:$0x5] =	wrdreg $0x9  }
0xb3: {  	_ =	task.clear_ibuf [dreg:s8], $0x6FFFF;
	_ =	strace $0x90000046  }
0xb4: {  	s29 =	simm.s32 $0x9;
	_ =	strace $0x80000048  }
0xb5: {  	_ =	swait.ge [sflag:s29], $0x1  }
0xb6: {  	[sflag:s29] =	ssyncadd.s32 $0xFFFFFFFF  }
0xb7: {  	_ =	strace $0x90000048  }
0xb8: {  	_ =	sfence  }
0xb9: {  	s30 =	sld [smem:$0x0];
	_ =	sdelay $0x2  }
0xba: {  	s31 =	sshll.u32 s1, $0xD;
	s1 =	sshrl.u32 s1, $0x2  }
0xbb: {  	s3 =	sand.u32 $0x4000, s31;
	s1 =	sadd.s32 s1, s30  }
0xbc: {  	s0 =	sor.u32 s3, s0;
	s1 =	sshll.u32 s1, $0x11  }
0xbd: {  	s0 =	sor.u32 s1, s0  }
0xbe: {  	s0 =	sadd.s32 $0x8F2B, s0  }
0xbf: {  	[sflag:s0] =	ssyncadd.remote.s32 $0x1  }
0xc0: {  	_ =	sfence.sel $0xFFFF  }
0xc1: {  	[dreg:$0x0] =	wrdreg $0xFFFFFFFF;
	(pc) =	sbr.abs _section_cstart, $3  }
0xc2: {  	[dreg:$0x1] =	wrdreg $0xFFFFFFFF  }
0xc3: {  	_ =	task.clear_ibuf [dreg:s8], $0x2FFFF;
	_ =	strace $0x9FFFFFFF  }
0xc4: {  	(tm) =	ssettm $0x7FFFFFFF  }
0xc5: {  	_ =	shalt  }
tec
execute0_lowered:
.L_overlay_start_1:
0x0: {  	(tag) =	ssettag $0x1  }
0x1: {  	v0 =	vimm.f32 $1.500000000e+01;
	vm0 =	vcmask $0x300  }
0x2: {  	vm1 =	vcmask $0x704;
	s1 =	rddreg [dreg:$0x0];
	v0 =	vsel vm0, $0x0, v0  }
0x3: {  	s0 =	srdreg.scid;
	vm2 =	vcmask $0xB08;
	s4 =	rddreg [dreg:$0x1];
	v0 =	vsel vm1, $0x3F800000, v0  }
0x4: {  	s10 =	stileid.u32;
	s6 =	rddreg [dreg:$0x2];
	v0 =	vsel vm2, $0x40000000, v0;
	vm2 =	vcmask $0xF0C  }
0x5: {  	s7 =	simm.s32 $0x0;
	s12 =	simm.s32 $0x2000;
	s13 =	simm.s32 $0x40000;
	v0 =	vsel vm2, $0x40400000, v0;
	vm2 =	vcmask $0x1310  }
0x6: {  	s14 =	simm.s32 $0x6000;
	s15 =	simm.s32 $0x1;
	s16 =	simm.s32 $0x2;
	v0 =	vsel vm2, $0x40800000, v0;
	vm2 =	vcmask $0x1714  }
0x7: {  	vm3 =	vcmask $0x1B18;
	s21 =	simm.s32 $0x0;
	s0 =	sand.u32 $0x1, s0;
	s2 =	sshrl.u32 s10, $0x2;
	v0 =	vsel vm2, $0x40A00000, v0  }
0x8: {  	vm4 =	vcmask $0x1F1C;
	s9 =	sand.u32 $0x3, s10;
	[smem:$0x7FF] =	sst s7;
	s31 =	sshll.u32 s10, $0xA;
	v0 =	vsel vm3, $0x40C00000, v0  }
0x9: {  	vm5 =	vcmask $0x2320;
	s3 =	sshll.u32 s0, $0x2;
	s5 =	sshll.u32 s9, $0x10;
	s0 =	ssub.s32 $0x2, s0;
	v0 =	vsel vm4, $0x40E00000, v0  }
0xa: {  	_ =	strace $0x80000047;
	s6 =	sadd.s32 s31, s6;
	s2 =	sor.u32 s2, s3;
	v0 =	vsel vm5, $0x41000000, v0;
	vm5 =	vcmask $0x2724  }
0xb: {  	vm6 =	vcmask $0x2B28;
	p0 =	sne.s32 s9, $0x0;
	s29 =	sshrl.u32 s0, $0x1;
	s3 =	smul.u32 $0xC0000, s2;
	v0 =	vsel vm5, $0x41100000, v0  }
.Ltmp0:
0xc: {  	[dreg:$0xa] =	wrdreg s6;
	s2 =	sshll.u32 s2, $0x4;
	v0 =	vsel vm6, $0x41200000, v0;
	vm6 =	vcmask $0x2F2C;
	(pc) =	sbr.rel .LBB2_1-.Ltmp0, $4  }
0xd: {  	s0 =	ssub.s32 s0, s29;
	s2 =	sadd.s32 s4, s2;
	s5 =	sor.u32 s5, s3;
	v0 =	vsel vm6, $0x41300000, v0;
	vm6 =	vcmask $0x3330  }
0xe: {  	s0 =	smax.u32 s0, $0x1;
	[dreg:$0xb] =	wrdreg s2;
	s8 =	sshrl.u32 s5, $0x3;
	v0 =	vsel vm6, $0x41400000, v0;
	vm6 =	vcmask $0x3734  }
0xf: {  	v2 =	vlaneseq.u32;
	[dreg:$0xc] =	wrdreg s0;
	s5 =	sshll.u32 s9, $0x7;
	s30 =	sadd.s32 s1, s8;
	v1 =	vsel vm6, $0x41500000, v0;
	vm6 =	vcmask $0x3B38  }
0x10: {  	vm8 =	vcmask $0x2720;
	s7 =	sor.u32 $0x20, s5;
	s11 =	sor.u32 $0x10, s5;
	[dreg:$0x9] =	wrdreg s30;
	v0 =	vimm.s32 $0x1;
	v1 =	vsel vm6, $0x41600000, v1  }
.LBB2_15:
0x11: {  	s21 =	sadd.s32 $0x1, s21;
	s0 =	rddreg [dreg:$0xc]  }
0x12: {  	p1 =	sne.s32 s21, s0  }
.Ltmp1:
0x13: {  	_ = 	snop;
	(pc) =	sbr.rel @!p1 .LBB2_16-.Ltmp1, $1  }
0x14: {  	_ =	sdelay $0x3  }
.LBB2_1:
0x15: {  	v7 =	vimm.f32 $0.0e+00  }
0x16: {  	v9 =	vimm.s32 $0x0;
	v4 =	vimm.f32 $1.024000000e+03;
	v3 =	vimm.f32 $-1.000000000e+00  }
0x17: {  	s0 =	simm.s32 $0x0;
	s2 =	rddreg [dreg:$0x9];
	v6 =	vimm.s32 $0x0;
	v8 =	vimm.f32 $0.0e+00;
	v5 =	vimm.s32 $0x0;
	s22 =	simm.s32 $0x0  }
0x18: {  	v10 =	vimm.s32 $0x0;
	v11 =	vimm.s32 $0x0;
	v12 =	vimm.s32 $0x0;
	[tilespmem:s0], [sflag:$0x1] =	stream.strided.gather [hbm4b:s2+s12], $0x6000, s13, s12, $0x38;
	[tilespmem:$0xD500] =	vst v63  }
.LBB2_2:
0x19: {  	s24 =	sshll.u32 s22, $0x5  }
0x1a: {  	s23 =	sor.u32 s11, s24  }
0x1b: {  	s0 =	sshll.u32 s23, $0x9  }
0x1c: {  	s0 =	sadd.s32 s3, s0  }
0x1d: {  	s0 =	sshrl.u32 s0, $0x3  }
0x1e: {  	s0 =	sadd.s32 s1, s0  }
0x1f: {  	[tilespmem:s14], [sflag:$0x2] =	stream.strided.gather [hbm4b:s0+s12], $0x6000, s13, s12, $0x38;
	[tilespmem:$0xD500] =	vst v63  }
0x20: {  	_ =	swait.ge [sflag:s15], $0x6000  }
0x21: {  	s26 =	simm.s32 $0x0;
	[sflag:s15] =	ssyncset.done $0x0  }
0x22: {  	s28 =	simm.s32 $0x0;
	s25 =	sadd.s32 s5, s24;
	[sflag:s15] =	ssyncadd.s32 $0xFFFFA000  }
.LBB2_3:
0x23: {  	s0 =	sshll.u32 s28, $0xB  }
0x24: {  	s2 =	sshll.u32 s28, $0x9;
	s18 =	sand.u32 $0xC00, s26;
	s29 =	sand.u32 $0x1000, s0  }
0x25: {  	s30 =	sand.u32 $0x200, s2;
	s0 =	sor.u32 $0x2000, s29;
	s17 =	sor.u32 $0x4000, s29  }
0x26: {  	s31 =	sor.u32 $0x180, s30;
	s6 =	sadd.s32 s18, s29;
	[dreg:$0x4] =	wrdreg s0  }
0x27: {  	s2 =	sor.u32 $0x80, s30;
	[dreg:$0x5] =	wrdreg s17;
	s17 =	sand.u32 $0x70, s26  }
0x28: {  	s19 =	sadd.s32 s31, s6;
	s20 =	sadd.s32 s2, s6;
	s4 =	rddreg [dreg:$0x5]  }
0x29: {  	s9 =	rddreg [dreg:$0x4];
	s19 =	sadd.s32 s17, s19;
	s4 =	sadd.s32 s18, s4  }
0x2a: {  	s20 =	sadd.s32 s17, s20;
	s9 =	sadd.s32 s18, s9;
	v21 =	vld [tilespmem:s19+$0x0];
	s8 =	sadd.s32 s31, s4  }
0x2b: {  	v24 =	vld [tilespmem:s20+$0x0];
	s10 =	sadd.s32 s31, s9;
	s19 =	sadd.s32 s17, s8  }
0x2c: {  	s18 =	sadd.s32 s2, s4;
	s0 =	sadd.s32 s17, s10;
	v22 =	vld [tilespmem:s19+$0x0]  }
0x2d: {  	s20 =	sadd.s32 s17, s18;
	s8 =	sadd.s32 s2, s9;
	v25 =	vld [tilespmem:s0+$0x0]  }
0x2e: {  	s10 =	sadd.s32 s30, s6;
	v26 =	vld [tilespmem:s20+$0x0];
	s18 =	sadd.s32 s17, s8  }
0x2f: {  	s0 =	sor.u32 $0x100, s30;
	s19 =	sadd.s32 s17, s10;
	s10 =	sadd.s32 s30, s9;
	v27 =	vld [tilespmem:s18+$0x0]  }
0x30: {  	v30 =	vld [tilespmem:s19+$0x0];
	s10 =	sadd.s32 s17, s10;
	s6 =	sadd.s32 s0, s6  }
0x31: {  	s19 =	sadd.s32 s30, s4;
	v31 =	vld [tilespmem:s10+$0x0];
	s6 =	sadd.s32 s17, s6  }
0x32: {  	s9 =	sadd.s32 s0, s9;
	s20 =	sadd.s32 s17, s19;
	v32 =	vld [tilespmem:s6+$0x0]  }
0x33: {  	s9 =	sadd.s32 s17, s9;
	v35 =	vld [tilespmem:s20+$0x0];
	v13 =	vsub.f32 v22, v21  }
0x34: {  	s4 =	sadd.s32 s0, s4;
	v33 =	vld [tilespmem:s9+$0x0];
	v14 =	vsub.f32 v25, v21  }
0x35: {  	s4 =	sadd.s32 s17, s4;
	v15 =	vsub.f32 v26, v24;
	v13 =	vmul.f32 $1.442695020e+00, v13  }
0x36: {  	v34 =	vld [tilespmem:s4+$0x0];
	v16 =	vsub.f32 v31, v30;
	v14 =	vmul.f32 $1.442695020e+00, v14  }
0x37: {  	v17 =	vsub.f32 v27, v24;
	v15 =	vmul.f32 $1.442695020e+00, v15;
	(erf) = vpow2.f32 v13  }
0x38: {  	v13 =	vmul.f32 $1.442695020e+00, v16;
	(erf) = vpow2.f32 v14;
	v14 =	vsub.f32 v35, v30  }
0x39: {  	v16 =	vmul.f32 $1.442695020e+00, v17;
	(erf) = vpow2.f32 v15;
	v15 =	vsub.f32 v33, v32  }
0x3a: {  	v17 =	vmul.f32 $1.442695020e+00, v14;
	(erf) = vpow2.f32 v13  }
0x3b: {  	s19 =	simm.s32 $0x80;
	v18 =	vsub.f32 v34, v32;
	v15 =	vmul.f32 $1.442695020e+00, v15;
	(erf) = vpow2.f32 v16  }
0x3c: {  	s6 =	sand.u32 $0xC00, s19;
	(erf) = vpow2.f32 v17  }
0x3d: {  	s8 =	simm.s32 $0x10;
	s9 =	rddreg [dreg:$0x5];
	s4 =	sadd.s32 s6, s29;
	v17 =	vmul.f32 $1.442695020e+00, v18;
	(erf) = vpow2.f32 v15  }
0x3e: {  	s20 =	sand.u32 $0x70, s8;
	s9 =	sadd.s32 s6, s9;
	s18 =	sadd.s32 s31, s4  }
0x3f: {  	s17 =	rddreg [dreg:$0x4];
	s10 =	sadd.s32 s20, s18;
	s18 =	sadd.s32 s31, s9;
	(erf) = vpow2.f32 v17  }
0x40: {  	s6 =	sadd.s32 s6, s17;
	s8 =	sadd.s32 s2, s4;
	v14 =	vld [tilespmem:s10+$0x0];
	s10 =	sadd.s32 s20, s18;
	v23 =	vpop (erf)  }
0x41: {  	s17 =	sadd.s32 s31, s6;
	vm9 =	vge.f32 v25, v22;
	v25 =	vmax.f32 v25, v22;
	s8 =	sadd.s32 s20, s8;
	vm7 =	vge.f32 v27, v26;
	v16 =	vld [tilespmem:s10+$0x0];
	v28 =	vpop (erf)  }
0x42: {  	v26 =	vmax.f32 v27, v26;
	vm13 =	vgt.f32 v25, v21;
	v13 =	vld [tilespmem:s8+$0x0];
	s8 =	sadd.s32 s20, s17;
	v29 =	vpop (erf);
	v36 =	vadd.f32 $1.000000000e+00, v28  }
0x43: {  	vm6 =	vgt.f32 v26, v24;
	vm10 =	vge.f32 v33, v34;
	v39 =	vmax.f32 v33, v34;
	s18 =	sadd.s32 s2, s9;
	v19 =	vld [tilespmem:s8+$0x0];
	v34 =	vpop (erf)  }
0x44: {  	vm9 =	vmand vm9, vm13;
	vm12 =	vge.f32 v31, v35;
	s17 =	sadd.s32 s20, s18;
	s18 =	sadd.s32 s2, s6;
	v33 =	vpop (erf);
	v36 =	vadd.f32 v23, v36  }
0x45: {  	vm11 =	vmand vm7, vm6;
	vm13 =	vmxor vm13, vm9;
	vm15 =	vgt.f32 v39, v32;
	v18 =	vld [tilespmem:s17+$0x0];
	s17 =	sadd.s32 s30, s4;
	s8 =	sadd.s32 s20, s18;
	v37 =	vpop (erf)  }
0x46: {  	v35 =	vmax.f32 v31, v35;
	s18 =	sadd.s32 s30, s6;
	s10 =	sadd.s32 s20, s17;
	v20 =	vld [tilespmem:s8+$0x0];
	v40 =	vsub.f32 v16, v14;
	v38 =	vadd.f32 $1.000000000e+00, v34;
	v31 =	vpop (erf)  }
0x47: {  	vm10 =	vmand vm10, vm15;
	s17 =	sadd.s32 s20, s18;
	v17 =	vld [tilespmem:s10+$0x0];
	v27 =	vadd.f32 $1.000000000e+00, v33;
	v45 =	vadd.f32 $1.000000000e+00, v31  }
0x48: {  	v22 =	vld [tilespmem:s17+$0x0];
	v41 =	vsub.f32 v19, v14;
	v44 =	vadd.f32 v37, v38;
	(erf) = vrcp.f32 v36;
	v36 =	vpop (erf)  }
0x49: {  	vm14 =	vgt.f32 v35, v30;
	v27 =	vadd.f32 v29, v27;
	v21 =	vadd.f32 v36, v45  }
0x4a: {  	vm12 =	vmand vm12, vm14;
	s4 =	sadd.s32 s0, s4;
	v42 =	vsub.f32 v18, v13;
	v39 =	vmul.f32 $1.442695020e+00, v41  }
0x4b: {  	s6 =	sadd.s32 s0, s6;
	s4 =	sadd.s32 s20, s4;
	v43 =	vsub.f32 v20, v13;
	v41 =	vmul.f32 $1.442695020e+00, v40;
	(erf) = vrcp.f32 v44  }
0x4c: {  	v25 =	vmovc v10;
	v26 =	vmovc v11;
	v15 =	vimm.s32 $0x1;
	s18 =	sadd.s32 s30, s9;
	s6 =	sadd.s32 s20, s6;
	v24 =	vld [tilespmem:s4+$0x0];
	v40 =	vmul.f32 $1.442695020e+00, v42;
	(erf) = vrcp.f32 v27  }
0x4d: {  	s4 =	sadd.s32 s20, s18;
	v30 =	vld [tilespmem:s6+$0x0];
	s17 =	simm.s32 $0x20;
	v35 =	vmul.f32 $1.442695020e+00, v43;
	v38 =	vsub.f32 v22, v17;
	(erf) = vrcp.f32 v21;
	v27 =	vmovc v12;
	v21 =	vmovc v9  }
.LBB2_4:
0x4e: {  	vm15 =	vmxor vm15, vm10  }
0x4f: {  	v42 =	vmpcnt.ones.xlane vm13;
	vm7 =	vmxor vm6, vm11;
	vm14 =	vmxor vm14, vm12  }
0x50: {  	vm6 =	vmor vm12, vm11;
	v38 =	vmul.f32 $1.442695020e+00, v38;
	(erf) = vpow2.f32 v41  }
0x51: {  	v61 =	vmpcnt.ones.xlane vm15;
	v63 =	vmpcnt.ones.xlane vm14;
	vm6 =	vmor vm6, vm10  }
0x52: {  	v32 =	vld [tilespmem:s4+$0x0];
	v62 =	vmpcnt.ones.xlane vm7;
	(erf) = vpow2.f32 v39;
	vm6 =	vmor vm6, vm9  }
0x53: {  	v5 =	vadd.s32 v5, v63;
	v60 =	vnsel vm6, $0x0, v15;
	v15 =	vshll.u32 v15, $0x1  }
0x54: {  	v63 =	vmax.f32 v19, v16;
	v45 =	vsub.f32 v30, v24;
	v5 =	vadd.s32 v62, v5;
	v43 =	vpop (erf)  }
0x55: {  	v62 =	vmpcnt.ones.xlane vm10;
	v6 =	vor.u32 v6, v60;
	(erf) = vpow2.f32 v40;
	v44 =	vpop (erf)  }
0x56: {  	v5 =	vadd.s32 v61, v5;
	v61 =	vmpcnt.ones.xlane vm11;
	v48 =	vmul.f32 v44, v37  }
0x57: {  	s10 =	sadd.s32 s0, s9;
	s19 =	sadd.s32 $0x80, s19;
	v46 =	vsub.f32 v32, v17;
	v47 =	vmul.f32 v43, v28;
	v34 =	vmul.f32 v44, v34;
	v50 =	vpop (erf)  }
0x58: {  	s4 =	sadd.s32 s20, s10;
	s6 =	sand.u32 $0xC00, s19;
	v33 =	vmul.f32 v50, v33;
	v29 =	vmul.f32 v50, v29;
	v52 =	vpop (erf);
	v51 =	vnsel vm14, $0x0, v48  }
0x59: {  	v54 =	vld [tilespmem:s4+$0x0];
	s4 =	sadd.s32 s6, s29;
	v28 =	vnsel vm12, $0x0, v34;
	v53 =	vmul.f32 v52, v36;
	v7 =	vadd.f32 v51, v7  }
0x5a: {  	s8 =	rddreg [dreg:$0x5];
	s20 =	sand.u32 $0x70, s17;
	s18 =	sadd.s32 s31, s4;
	v8 =	vadd.f32 v28, v8;
	v28 =	vmul.f32 v52, v31;
	v29 =	vnsel vm7, $0x0, v29  }
0x5b: {  	s9 =	sadd.s32 s6, s8;
	s18 =	sadd.s32 s20, s18;
	v5 =	vadd.s32 v42, v5;
	v31 =	vnsel vm11, $0x0, v33;
	v7 =	vadd.f32 v29, v7  }
0x5c: {  	s10 =	rddreg [dreg:$0x4];
	v39 =	vld [tilespmem:s18+$0x0];
	s18 =	sadd.s32 s31, s9;
	v33 =	vnsel vm15, $0x0, v53;
	v8 =	vadd.f32 v31, v8;
	v31 =	vmul.f32 v43, v23  }
0x5d: {  	s6 =	sadd.s32 s6, s10;
	v58 =	vmul.f32 $1.442695020e+00, v45;
	s10 =	sadd.s32 s20, s18;
	v25 =	vadd.s32 v25, v62;
	v23 =	vpop (erf);
	v7 =	vadd.f32 v33, v7  }
0x5e: {  	v57 =	vsub.f32 v54, v24;
	v59 =	vld [tilespmem:s10+$0x0];
	v55 =	vnsel vm10, $0x0, v28;
	v28 =	vpop (erf);
	v31 =	vnsel vm13, $0x0, v31  }
0x5f: {  	v29 =	vpop (erf);
	(erf) = vpow2.f32 v38;
	v7 =	vadd.f32 v31, v7;
	v31 =	vmul.f32 $1.442695020e+00, v46  }
0x60: {  	s18 =	sadd.s32 s2, s9;
	v26 =	vadd.s32 v26, v61;
	v56 =	vnsel vm9, $0x0, v47;
	(erf) = vpow2.f32 v35  }
0x61: {  	s8 =	sadd.s32 s2, s4;
	s18 =	sadd.s32 s20, s18;
	vm11 =	vge.f32 v20, v18;
	vm10 =	vge.f32 v30, v54;
	(erf) = vpow2.f32 v31  }
0x62: {  	s8 =	sadd.s32 s20, s8;
	v36 =	vld [tilespmem:s18+$0x0];
	s18 =	sadd.s32 s30, s4;
	v30 =	vmax.f32 v30, v54;
	v33 =	vmul.f32 $1.442695020e+00, v57;
	(erf) = vpow2.f32 v58  }
0x63: {  	s10 =	sadd.s32 s20, s18;
	v42 =	vsub.f32 v59, v39;
	vm15 =	vgt.f32 v30, v24;
	v8 =	vadd.f32 v55, v8;
	v35 =	vld [tilespmem:s8+$0x0];
	s8 =	sadd.s32 s31, s6  }
0x64: {  	s18 =	sadd.s32 s30, s6;
	v41 =	vld [tilespmem:s10+$0x0];
	vm13 =	vgt.f32 v63, v14;
	s8 =	sadd.s32 s20, s8;
	v31 =	vmpcnt.ones.xlane vm12;
	(erf) = vpow2.f32 v33  }
0x65: {  	s10 =	sadd.s32 s20, s18;
	vm10 =	vmand vm10, vm15;
	v38 =	vld [tilespmem:s8+$0x0];
	vm12 =	vge.f32 v22, v32;
	v22 =	vmax.f32 v22, v32  }
0x66: {  	v8 =	vadd.f32 v56, v8;
	v56 =	vld [tilespmem:s10+$0x0];
	s8 =	sadd.s32 s2, s6;
	vm14 =	vgt.f32 v22, v17;
	v27 =	vadd.s32 v27, v31  }
0x67: {  	s8 =	sadd.s32 s20, s8;
	v31 =	vmpcnt.ones.xlane vm9;
	vm9 =	vge.f32 v19, v16;
	v16 =	vmovc v59;
	v19 =	vadd.f32 $1.000000000e+00, v28  }
0x68: {  	v40 =	vld [tilespmem:s8+$0x0];
	v59 =	vmax.f32 v20, v18;
	vm12 =	vmand vm12, vm14;
	v58 =	vsub.f32 v36, v35;
	v34 =	vpop (erf)  }
0x69: {  	vm6 =	vgt.f32 v59, v13;
	vm9 =	vmand vm9, vm13;
	v50 =	vadd.f32 v23, v19;
	v33 =	vpop (erf)  }
0x6a: {  	v21 =	vadd.s32 v21, v31;
	v57 =	vsub.f32 v38, v39;
	v49 =	vadd.f32 $1.000000000e+00, v34;
	v37 =	vpop (erf)  }
0x6b: {  	p1 =	sne.s32 s17, $0x1F0;
	v19 =	vmov v38;
	v38 =	vsub.f32 v56, v41;
	v51 =	vadd.f32 $1.000000000e+00, v33;
	v31 =	vpop (erf)  }
.Ltmp2:
0x6c: {  	v17 =	vmovc v41;
	v18 =	vmovc v36;
	v41 =	vmul.f32 $1.442695020e+00, v42;
	v52 =	vadd.f32 v37, v49;
	v62 =	vadd.f32 $1.000000000e+00, v31;
	(pc) =	sbr.rel @p1 .LBB2_4-.Ltmp2, $4  }
0x6d: {  	s4 =	sadd.s32 s0, s4;
	v60 =	vsub.f32 v40, v35;
	v61 =	vadd.f32 v29, v51;
	(erf) = vrcp.f32 v50;
	v36 =	vpop (erf)  }
0x6e: {  	s4 =	sadd.s32 s20, s4;
	v14 =	vmovc v39;
	s6 =	sadd.s32 s0, s6;
	v39 =	vmul.f32 $1.442695020e+00, v57;
	(erf) = vrcp.f32 v52;
	v63 =	vadd.f32 v36, v62  }
0x6f: {  	s18 =	sadd.s32 s30, s9;
	v24 =	vld [tilespmem:s4+$0x0];
	s6 =	sadd.s32 s20, s6;
	vm11 =	vmand vm11, vm6;
	v20 =	vmovc v40;
	v40 =	vmul.f32 $1.442695020e+00, v58;
	(erf) = vrcp.f32 v61  }
0x70: {  	s17 =	sadd.s32 $0x10, s17;
	s4 =	sadd.s32 s20, s18;
	v30 =	vld [tilespmem:s6+$0x0];
	v13 =	vmovc v35;
	v22 =	vmovc v56;
	vm13 =	vmxor vm13, vm9;
	v35 =	vmul.f32 $1.442695020e+00, v60;
	(erf) = vrcp.f32 v63  }
0x71: {  	v32 =	vmul.f32 $1.442695020e+00, v38;
	vm15 =	vmxor vm15, vm10;
	v49 =	vmpcnt.ones.xlane vm13  }
0x72: {  	(erf) = vpow2.f32 v41;
	vm7 =	vmxor vm6, vm11;
	vm14 =	vmxor vm14, vm12  }
0x73: {  	v41 =	vld [tilespmem:s4+$0x0];
	vm6 =	vmor vm12, vm11;
	v59 =	vmpcnt.ones.xlane vm12;
	v61 =	vmpcnt.ones.xlane vm11  }
0x74: {  	v42 =	vmpcnt.ones.xlane vm15;
	v44 =	vmpcnt.ones.xlane vm14;
	vm6 =	vmor vm6, vm10  }
0x75: {  	(erf) = vpow2.f32 v39;
	v43 =	vmpcnt.ones.xlane vm7;
	vm6 =	vmor vm6, vm9  }
0x76: {  	v5 =	vadd.s32 v5, v44;
	v60 =	vnsel vm6, $0x0, v15;
	v45 =	vsub.f32 v30, v24  }
0x77: {  	s0 =	sadd.s32 s0, s9;
	vm6 =	vge.f32 v19, v16;
	v16 =	vmax.f32 v19, v16;
	v50 =	vpop (erf);
	(erf) = vpow2.f32 v40  }
0x78: {  	s0 =	sadd.s32 s20, s0;
	v46 =	vsub.f32 v41, v17;
	v51 =	vpop (erf);
	v28 =	vmul.f32 v50, v28;
	v56 =	vmul.f32 $1.442695020e+00, v45  }
0x79: {  	v5 =	vadd.s32 v43, v5;
	v40 =	vld [tilespmem:s0+$0x0];
	v23 =	vmul.f32 v50, v23;
	v34 =	vmul.f32 v51, v34  }
0x7a: {  	v5 =	vadd.s32 v42, v5;
	v37 =	vmul.f32 v51, v37;
	v52 =	vpop (erf);
	v54 =	vmul.f32 $1.442695020e+00, v46  }
0x7b: {  	v19 =	vmax.f32 v22, v41;
	(erf) = vpow2.f32 v32;
	v33 =	vmul.f32 v52, v33  }
0x7c: {  	v29 =	vmul.f32 v52, v29;
	v53 =	vpop (erf);
	(erf) = vpow2.f32 v35;
	v34 =	vnsel vm12, $0x0, v34  }
0x7d: {  	v37 =	vnsel vm14, $0x0, v37;
	v31 =	vmul.f32 v53, v31;
	v8 =	vadd.f32 v34, v8  }
0x7e: {  	(erf) = vpow2.f32 v54;
	v7 =	vadd.f32 v37, v7;
	v55 =	vsub.f32 v40, v24  }
0x7f: {  	v33 =	vnsel vm11, $0x0, v33;
	v29 =	vnsel vm7, $0x0, v29;
	(erf) = vpow2.f32 v56  }
0x80: {  	v31 =	vnsel vm10, $0x0, v31;
	v8 =	vadd.f32 v33, v8;
	v57 =	vmul.f32 $1.442695020e+00, v55  }
0x81: {  	v5 =	vadd.s32 v49, v5;
	v45 =	vmpcnt.ones.xlane vm10;
	v28 =	vnsel vm9, $0x0, v28  }
0x82: {  	v7 =	vadd.f32 v29, v7;
	v29 =	vpop (erf);
	v8 =	vadd.f32 v31, v8;
	(erf) = vpow2.f32 v57  }
0x83: {  	v50 =	vmpcnt.ones.xlane vm9;
	v23 =	vnsel vm13, $0x0, v23;
	v34 =	vmul.f32 v53, v36;
	v31 =	vpop (erf)  }
0x84: {  	vm9 =	vge.f32 v20, v18;
	v18 =	vmax.f32 v20, v18;
	v8 =	vadd.f32 v28, v8;
	v28 =	vpop (erf)  }
0x85: {  	vm12 =	vgt.f32 v16, v14;
	v58 =	vnsel vm15, $0x0, v34;
	v62 =	vadd.f32 $1.000000000e+00, v31;
	v63 =	vpop (erf)  }
0x86: {  	vm14 =	vgt.f32 v19, v17;
	v7 =	vadd.f32 v58, v7;
	v46 =	vadd.f32 $1.000000000e+00, v63;
	v47 =	vpop (erf)  }
0x87: {  	vm7 =	vge.f32 v30, v40;
	v34 =	vadd.f32 v29, v62;
	v48 =	vadd.f32 $1.000000000e+00, v47;
	v49 =	vpop (erf)  }
0x88: {  	vm11 =	vge.f32 v22, v41;
	v7 =	vadd.f32 v23, v7;
	v32 =	vadd.f32 v49, v46  }
0x89: {  	v23 =	vadd.s32 v27, v59;
	(erf) = vrcp.f32 v34;
	v51 =	vpop (erf);
	v27 =	vadd.f32 v28, v48  }
0x8a: {  	vm11 =	vmand vm11, vm14;
	v52 =	vadd.f32 $1.000000000e+00, v51;
	(erf) = vrcp.f32 v32  }
0x8b: {  	v55 =	vmax.f32 v30, v40;
	vm15 =	vgt.f32 v18, v13;
	v53 =	vpop (erf);
	(erf) = vrcp.f32 v27  }
0x8c: {  	vm14 =	vmxor vm14, vm11;
	vm13 =	vgt.f32 v55, v24;
	v54 =	vadd.f32 v53, v52  }
0x8d: {  	vm10 =	vmand vm9, vm15;
	v18 =	vmpcnt.ones.xlane vm14;
	vm9 =	vmand vm7, vm13  }
0x8e: {  	vm7 =	vmxor vm13, vm9;
	vm13 =	vmxor vm15, vm10;
	(erf) = vrcp.f32 v54  }
0x8f: {  	vm6 =	vmand vm6, vm12;
	v17 =	vmpcnt.ones.xlane vm13  }
0x90: {  	vm12 =	vmxor vm12, vm6;
	v5 =	vadd.s32 v5, v18;
	v14 =	vmpcnt.ones.xlane vm7  }
0x91: {  	v26 =	vadd.s32 v26, v61;
	v13 =	vmpcnt.ones.xlane vm12;
	v5 =	vadd.s32 v17, v5  }
0x92: {  	v15 =	vshll.u32 v15, $0x1;
	v6 =	vor.u32 v6, v60;
	v5 =	vadd.s32 v14, v5;
	v16 =	vpop (erf)  }
0x93: {  	v25 =	vadd.s32 v25, v45;
	v5 =	vadd.s32 v13, v5;
	v13 =	vmpcnt.ones.xlane vm11;
	v19 =	vpop (erf)  }
0x94: {  	v56 =	vadd.s32 v21, v50;
	v57 =	vmul.f32 v19, v63;
	v19 =	vmul.f32 v19, v49;
	v58 =	vpop (erf)  }
0x95: {  	vm15 =	vmor vm11, vm10;
	v60 =	vmul.f32 v16, v31;
	v59 =	vmul.f32 v58, v47  }
0x96: {  	v22 =	vmul.f32 v58, v28;
	v21 =	vnsel vm11, $0x0, v57;
	v19 =	vnsel vm14, $0x0, v19  }
0x97: {  	v61 =	vpop (erf);
	v8 =	vadd.f32 v21, v8;
	v7 =	vadd.f32 v19, v7;
	v62 =	vnsel vm10, $0x0, v59  }
0x98: {  	v22 =	vnsel vm13, $0x0, v22;
	v19 =	vmul.f32 v61, v51;
	v63 =	vmul.f32 v61, v53  }
0x99: {  	v16 =	vmul.f32 v16, v29;
	v8 =	vadd.f32 v62, v8;
	v7 =	vadd.f32 v22, v7  }
0x9a: {  	v18 =	vnsel vm9, $0x0, v19;
	v19 =	vnsel vm7, $0x0, v63;
	vm7 =	vmor vm15, vm9  }
0x9b: {  	s29 =	sshll.u32 s28, $0x2;
	v8 =	vadd.f32 v18, v8;
	v7 =	vadd.f32 v19, v7;
	vm7 =	vmor vm7, vm6  }
0x9c: {  	s0 =	sadd.s32 s25, s29;
	v14 =	vnsel vm6, $0x0, v60;
	v16 =	vnsel vm12, $0x0, v16;
	v17 =	vnsel vm7, $0x0, v15  }
0x9d: {  	s2 =	scvt.s32.f32 s0;
	v15 =	vmpcnt.ones.xlane vm6;
	v8 =	vadd.f32 v14, v8;
	v7 =	vadd.f32 v16, v7  }
0x9e: {  	v14 =	vmpcnt.ones.xlane vm10;
	v16 =	vadd.s32 v23, v13;
	v13 =	vmpcnt.ones.xlane vm9  }
0x9f: {  	s30 =	sor.u32 $0x1, s0;
	vm7 =	vgt.s32 v16, v12;
	v12 =	vmov s2;
	v15 =	vadd.s32 v56, v15  }
0xa0: {  	s31 =	sor.u32 $0x2, s0;
	s2 =	scvt.s32.f32 s30;
	v14 =	vadd.s32 v26, v14;
	v18 =	vnsel vm7, $0x44800000, v12;
	v12 =	vnsel vm7, $0xBF800000, v12  }
0xa1: {  	s0 =	sor.u32 $0x3, s0;
	s4 =	scvt.s32.f32 s31;
	v13 =	vadd.s32 v25, v13;
	v4 =	vmin.f32 v4, v18;
	v3 =	vmax.f32 v3, v12  }
0xa2: {  	s0 =	scvt.s32.f32 s0;
	vm6 =	vgt.s32 v14, v11;
	v11 =	vmov s2;
	vm7 =	vgt.s32 v13, v10  }
0xa3: {  	s28 =	sadd.s32 $0x1, s28;
	v10 =	vmov s4;
	v12 =	vnsel vm6, $0x44800000, v11;
	v11 =	vnsel vm6, $0xBF800000, v11  }
0xa4: {  	p1 =	sne.s32 s28, $0x4;
	vm6 =	vgt.s32 v15, v9;
	v9 =	vmov s0;
	v4 =	vmin.f32 v4, v12  }
.Ltmp3:
0xa5: {  	v12 =	vnsel vm7, $0x44800000, v10;
	v3 =	vmax.f32 v3, v11;
	v10 =	vnsel vm7, $0xBF800000, v10;
	(pc) =	sbr.rel @p1 .LBB2_3-.Ltmp3, $4  }
0xa6: {  	v3 =	vmax.f32 v3, v10;
	v10 =	vnsel vm6, $0x44800000, v9;
	v9 =	vnsel vm6, $0xBF800000, v9  }
0xa7: {  	v4 =	vmin.f32 v4, v12  }
0xa8: {  	v6 =	vor.u32 v6, v17;
	v4 =	vmin.f32 v4, v10  }
0xa9: {  	v3 =	vmax.f32 v3, v9;
	v11 =	vmovc v14;
	v12 =	vmovc v16;
	v9 =	vmov v15;
	v10 =	vmov v13  }
0xaa: {  	p1 =	seq.s32 s22, $0x3  }
0xab: {  	s0 =	sadd.s32 @!p1 s24, s7  }
0xac: {  	s0 =	sshll.u32 @!p1 s0, $0x9  }
0xad: {  	s0 =	sadd.s32 @!p1 s3, s0  }
0xae: {  	s2 =	simm.s32 @!p1 $0x2000;
	s0 =	sshrl.u32 @!p1 s0, $0x3  }
0xaf: {  	s4 =	simm.s32 @!p1 $0x40000;
	s6 =	simm.s32 @!p1 $0x0;
	s0 =	sadd.s32 @!p1 s1, s0  }
0xb0: {  	[tilespmem:s6], [sflag:$0x1] =	stream.strided.gather @!p1 [hbm4b:s0+s2], $0x6000, s4, s2, $0x38;
	[tilespmem:$0xD500] =	vst v63  }
0xb1: {  	_ =	swait.ge [sflag:s16], $0x6000  }
0xb2: {  	[sflag:s16] =	ssyncset.done $0x0  }
0xb3: {  	s25 =	simm.s32 $0x0;
	s24 =	simm.s32 $0x0;
	[sflag:s16] =	ssyncadd.s32 $0xFFFFA000  }
.LBB2_7:
0xb4: {  	s0 =	sshll.u32 s25, $0xB  }
0xb5: {  	s0 =	sand.u32 $0x1000, s0  }
0xb6: {  	s2 =	sor.u32 $0x6000, s0  }
0xb7: {  	s18 =	sor.u32 $0x8000, s0;
	[dreg:$0x6] =	wrdreg s2  }
0xb8: {  	s0 =	sor.u32 $0xA000, s0;
	[dreg:$0x7] =	wrdreg s18  }
0xb9: {  	s19 =	sshll.u32 s25, $0x9;
	s20 =	sand.u32 $0xC00, s24;
	[dreg:$0x8] =	wrdreg s0  }
0xba: {  	s8 =	sand.u32 $0x70, s24;
	s26 =	sand.u32 $0x200, s19;
	s0 =	rddreg [dreg:$0x8]  }
0xbb: {  	s28 =	sor.u32 $0x180, s26;
	s4 =	rddreg [dreg:$0x6];
	s0 =	sadd.s32 s20, s0  }
0xbc: {  	s6 =	rddreg [dreg:$0x7];
	s4 =	sadd.s32 s20, s4;
	s9 =	sadd.s32 s28, s0  }
0xbd: {  	s6 =	sadd.s32 s20, s6;
	s30 =	sadd.s32 s28, s4;
	s9 =	sadd.s32 s8, s9  }
0xbe: {  	s29 =	sor.u32 $0x80, s26;
	s10 =	sadd.s32 s28, s6;
	s2 =	sadd.s32 s8, s30;
	v21 =	vld [tilespmem:s9+$0x0]  }
0xbf: {  	s17 =	sadd.s32 s29, s4;
	s10 =	sadd.s32 s8, s10;
	v24 =	vld [tilespmem:s2+$0x0]  }
0xc0: {  	s31 =	sadd.s32 s29, s0;
	s18 =	sadd.s32 s8, s17;
	v22 =	vld [tilespmem:s10+$0x0]  }
0xc1: {  	s20 =	sadd.s32 s26, s4;
	s9 =	sadd.s32 s8, s31;
	v26 =	vld [tilespmem:s18+$0x0]  }
0xc2: {  	s17 =	sadd.s32 s26, s6;
	s10 =	sadd.s32 s8, s20;
	v25 =	vld [tilespmem:s9+$0x0]  }
0xc3: {  	s19 =	sadd.s32 s29, s6;
	s2 =	sor.u32 $0x100, s26;
	s30 =	sadd.s32 s8, s17;
	v30 =	vld [tilespmem:s10+$0x0]  }
0xc4: {  	s9 =	sadd.s32 s8, s19;
	s4 =	sadd.s32 s2, s4;
	v31 =	vld [tilespmem:s30+$0x0]  }
0xc5: {  	s31 =	sadd.s32 s26, s0;
	v27 =	vld [tilespmem:s9+$0x0];
	s4 =	sadd.s32 s8, s4  }
0xc6: {  	s6 =	sadd.s32 s2, s6;
	s9 =	sadd.s32 s8, s31;
	v35 =	vld [tilespmem:s4+$0x0]  }
0xc7: {  	s6 =	sadd.s32 s8, s6;
	v32 =	vld [tilespmem:s9+$0x0];
	v9 =	vsub.f32 v21, v24  }
0xc8: {  	s0 =	sadd.s32 s2, s0;
	v33 =	vld [tilespmem:s6+$0x0];
	v10 =	vsub.f32 v22, v24  }
0xc9: {  	s0 =	sadd.s32 s8, s0;
	v11 =	vsub.f32 v25, v26;
	v9 =	vmul.f32 $1.442695020e+00, v9  }
0xca: {  	v34 =	vld [tilespmem:s0+$0x0];
	v12 =	vsub.f32 v31, v30;
	v10 =	vmul.f32 $1.442695020e+00, v10  }
0xcb: {  	v17 =	vsub.f32 v27, v26;
	v11 =	vmul.f32 $1.442695020e+00, v11;
	(erf) = vpow2.f32 v9  }
0xcc: {  	v9 =	vmul.f32 $1.442695020e+00, v12;
	(erf) = vpow2.f32 v10;
	v10 =	vsub.f32 v32, v30  }
0xcd: {  	v12 =	vmul.f32 $1.442695020e+00, v17;
	(erf) = vpow2.f32 v11;
	v11 =	vsub.f32 v33, v35  }
0xce: {  	v10 =	vmul.f32 $1.442695020e+00, v10;
	(erf) = vpow2.f32 v9  }
0xcf: {  	s17 =	rddreg [dreg:$0x6];
	s0 =	simm.s32 $0x80;
	v17 =	vsub.f32 v34, v35;
	v18 =	vmul.f32 $1.442695020e+00, v11;
	(erf) = vpow2.f32 v12  }
0xd0: {  	s10 =	rddreg [dreg:$0x8];
	s18 =	sand.u32 $0xC00, s0;
	(erf) = vpow2.f32 v10  }
0xd1: {  	s30 =	rddreg [dreg:$0x7];
	s31 =	simm.s32 $0x10;
	s20 =	sadd.s32 s18, s10;
	v10 =	vmul.f32 $1.442695020e+00, v17;
	(erf) = vpow2.f32 v18  }
0xd2: {  	s19 =	sand.u32 $0x70, s31;
	s6 =	sadd.s32 s18, s17;
	s17 =	sadd.s32 s28, s20  }
0xd3: {  	s4 =	sadd.s32 s18, s30;
	s18 =	sadd.s32 s28, s6;
	s30 =	sadd.s32 s19, s17;
	(erf) = vpow2.f32 v10  }
0xd4: {  	vm9 =	vge.f32 v22, v21;
	v21 =	vmax.f32 v22, v21;
	s8 =	sadd.s32 s19, s18;
	v9 =	vld [tilespmem:s30+$0x0];
	v23 =	vpop (erf)  }
0xd5: {  	s31 =	sadd.s32 s28, s4;
	vm13 =	vgt.f32 v21, v24;
	v11 =	vld [tilespmem:s8+$0x0];
	v28 =	vpop (erf)  }
0xd6: {  	s17 =	sadd.s32 s29, s20;
	s18 =	sadd.s32 s19, s31;
	vm7 =	vge.f32 v27, v25;
	v25 =	vmax.f32 v27, v25;
	v29 =	vpop (erf);
	v36 =	vadd.f32 $1.000000000e+00, v28  }
0xd7: {  	vm9 =	vmand vm9, vm13;
	s9 =	sadd.s32 s19, s17;
	v19 =	vld [tilespmem:s18+$0x0];
	vm10 =	vge.f32 v33, v34;
	v39 =	vmax.f32 v33, v34;
	s30 =	sadd.s32 s29, s6;
	v34 =	vpop (erf)  }
0xd8: {  	vm12 =	vge.f32 v31, v32;
	v31 =	vmax.f32 v31, v32;
	s31 =	sadd.s32 s19, s30;
	v18 =	vld [tilespmem:s9+$0x0];
	s9 =	sadd.s32 s29, s4;
	v33 =	vpop (erf);
	v36 =	vadd.f32 v23, v36  }
0xd9: {  	s17 =	sadd.s32 s26, s4;
	vm6 =	vgt.f32 v25, v26;
	vm13 =	vmxor vm13, vm9;
	vm15 =	vgt.f32 v39, v35;
	v12 =	vld [tilespmem:s31+$0x0];
	s8 =	sadd.s32 s19, s9;
	v37 =	vpop (erf)  }
0xda: {  	s10 =	sadd.s32 s26, s6;
	s18 =	sadd.s32 s19, s17;
	vm14 =	vgt.f32 v31, v30;
	v20 =	vld [tilespmem:s8+$0x0];
	v40 =	vsub.f32 v9, v11;
	v38 =	vadd.f32 $1.000000000e+00, v34;
	v32 =	vpop (erf)  }
0xdb: {  	vm11 =	vmand vm7, vm6;
	v22 =	vld [tilespmem:s18+$0x0];
	s9 =	sadd.s32 s19, s10;
	v27 =	vadd.f32 $1.000000000e+00, v33;
	v45 =	vadd.f32 $1.000000000e+00, v32  }
0xdc: {  	v17 =	vld [tilespmem:s9+$0x0];
	v41 =	vsub.f32 v19, v11;
	v44 =	vadd.f32 v37, v38;
	(erf) = vrcp.f32 v36;
	v36 =	vpop (erf)  }
0xdd: {  	vm10 =	vmand vm10, vm15;
	v27 =	vadd.f32 v29, v27;
	v21 =	vadd.f32 v36, v45  }
0xde: {  	vm12 =	vmand vm12, vm14;
	s6 =	sadd.s32 s2, s6;
	v42 =	vsub.f32 v18, v12;
	v39 =	vmul.f32 $1.442695020e+00, v41  }
0xdf: {  	s6 =	sadd.s32 s19, s6;
	s4 =	sadd.s32 s2, s4;
	v41 =	vmul.f32 $1.442695020e+00, v40;
	v43 =	vsub.f32 v20, v12;
	(erf) = vrcp.f32 v44  }
0xe0: {  	v26 =	vmovc v14;
	v25 =	vmovc v13;
	s30 =	sadd.s32 s26, s20;
	v24 =	vld [tilespmem:s6+$0x0];
	v10 =	vimm.s32 $0x1;
	s31 =	sadd.s32 s19, s4;
	v40 =	vmul.f32 $1.442695020e+00, v42;
	(erf) = vrcp.f32 v27  }
0xe1: {  	s4 =	sadd.s32 s19, s30;
	v30 =	vld [tilespmem:s31+$0x0];
	s9 =	simm.s32 $0x20;
	v38 =	vsub.f32 v22, v17;
	v35 =	vmul.f32 $1.442695020e+00, v43;
	(erf) = vrcp.f32 v21;
	v27 =	vmovc v16;
	v21 =	vmovc v15  }
.LBB2_8:
0xe2: {  	v42 =	vmpcnt.ones.xlane vm13  }
0xe3: {  	vm15 =	vmxor vm15, vm10;
	v53 =	vmpcnt.ones.xlane vm11;
	v54 =	vmpcnt.ones.xlane vm10  }
0xe4: {  	v31 =	vld [tilespmem:s4+$0x0];
	vm7 =	vmxor vm14, vm12;
	v38 =	vmul.f32 $1.442695020e+00, v38;
	(erf) = vpow2.f32 v41  }
0xe5: {  	vm6 =	vmxor vm6, vm11;
	s30 =	sadd.s32 s2, s20;
	v59 =	vmpcnt.ones.xlane vm15;
	v61 =	vmpcnt.ones.xlane vm7  }
0xe6: {  	vm14 =	vmor vm12, vm11;
	v60 =	vmpcnt.ones.xlane vm6;
	s4 =	sadd.s32 s19, s30;
	(erf) = vpow2.f32 v39  }
0xe7: {  	v52 =	vld [tilespmem:s4+$0x0];
	v26 =	vadd.s32 v26, v53;
	v25 =	vadd.s32 v25, v54;
	v5 =	vadd.s32 v5, v61;
	v43 =	vpop (erf)  }
0xe8: {  	v61 =	vmpcnt.ones.xlane vm12;
	v45 =	vsub.f32 v30, v24;
	v5 =	vadd.s32 v60, v5;
	v44 =	vpop (erf)  }
0xe9: {  	(erf) = vpow2.f32 v40;
	v46 =	vsub.f32 v31, v17;
	v48 =	vmul.f32 v44, v37  }
0xea: {  	v5 =	vadd.s32 v59, v5;
	v27 =	vadd.s32 v27, v61;
	v47 =	vmul.f32 v43, v28  }
0xeb: {  	v51 =	vmul.f32 v43, v23;
	v5 =	vadd.s32 v42, v5;
	v34 =	vmul.f32 v44, v34  }
0xec: {  	v60 =	vmul.f32 $1.442695020e+00, v45;
	v62 =	vpop (erf);
	v57 =	vmul.f32 $1.442695020e+00, v46;
	v59 =	vsub.f32 v52, v24  }
0xed: {  	s6 =	rddreg [dreg:$0x8];
	s0 =	sadd.s32 $0x80, s0;
	v33 =	vmul.f32 v62, v33;
	v28 =	vnsel vm12, $0x0, v34;
	v63 =	vnsel vm7, $0x0, v48;
	v48 =	vpop (erf)  }
0xee: {  	s8 =	rddreg [dreg:$0x6];
	s31 =	sand.u32 $0xC00, s0;
	v29 =	vmul.f32 v62, v29;
	v8 =	vadd.f32 v28, v8;
	v28 =	vmul.f32 v48, v32  }
0xef: {  	s10 =	rddreg [dreg:$0x7];
	s19 =	sand.u32 $0x70, s9;
	s20 =	sadd.s32 s31, s6;
	v56 =	vnsel vm9, $0x0, v47;
	vm12 =	vge.f32 v22, v31;
	v22 =	vmax.f32 v22, v31  }
0xf0: {  	s17 =	sadd.s32 s31, s8;
	s4 =	sadd.s32 s31, s10;
	s6 =	sadd.s32 s28, s20;
	v7 =	vadd.f32 v63, v7;
	v49 =	vnsel vm11, $0x0, v33;
	v29 =	vnsel vm6, $0x0, v29  }
0xf1: {  	s10 =	sadd.s32 s28, s4;
	s31 =	sadd.s32 s29, s17;
	s6 =	sadd.s32 s19, s6;
	vm6 =	vmor vm14, vm10;
	vm11 =	vge.f32 v20, v18;
	vm14 =	vgt.f32 v22, v17;
	v23 =	vpop (erf)  }
0xf2: {  	s18 =	sadd.s32 s29, s20;
	s30 =	sadd.s32 s19, s10;
	s10 =	sadd.s32 s19, s31;
	v58 =	vld [tilespmem:s6+$0x0];
	vm6 =	vmor vm6, vm9;
	vm12 =	vmand vm12, vm14;
	v55 =	vnsel vm10, $0x0, v28;
	v28 =	vpop (erf)  }
0xf3: {  	s6 =	sadd.s32 s19, s18;
	s18 =	sadd.s32 s29, s4;
	v42 =	vld [tilespmem:s10+$0x0];
	v50 =	vmul.f32 v48, v36;
	v7 =	vadd.f32 v29, v7;
	v29 =	vpop (erf);
	(erf) = vpow2.f32 v38  }
0xf4: {  	v63 =	vld [tilespmem:s6+$0x0];
	s6 =	sadd.s32 s19, s18;
	v8 =	vadd.f32 v49, v8;
	v32 =	vnsel vm13, $0x0, v51;
	(erf) = vpow2.f32 v35  }
0xf5: {  	v40 =	vld [tilespmem:s6+$0x0];
	v36 =	vmul.f32 $1.442695020e+00, v59;
	v62 =	vnsel vm6, $0x0, v10;
	(erf) = vpow2.f32 v57  }
0xf6: {  	v10 =	vshll.u32 v10, $0x1;
	v6 =	vor.u32 v6, v62;
	(erf) = vpow2.f32 v60  }
0xf7: {  	v33 =	vnsel vm15, $0x0, v50;
	vm10 =	vge.f32 v30, v52;
	v30 =	vmax.f32 v30, v52  }
0xf8: {  	s8 =	sadd.s32 s28, s17;
	v8 =	vadd.f32 v55, v8;
	v7 =	vadd.f32 v33, v7;
	(erf) = vpow2.f32 v36  }
0xf9: {  	s8 =	sadd.s32 s19, s8;
	v55 =	vmpcnt.ones.xlane vm9;
	vm9 =	vge.f32 v19, v9;
	vm15 =	vgt.f32 v30, v24  }
0xfa: {  	v59 =	vsub.f32 v63, v42;
	v61 =	vsub.f32 v40, v42;
	vm10 =	vmand vm10, vm15;
	v35 =	vld [tilespmem:s8+$0x0]  }
0xfb: {  	v8 =	vadd.f32 v56, v8;
	v56 =	vmax.f32 v19, v9;
	v19 =	vadd.f32 $1.000000000e+00, v28  }
0xfc: {  	v7 =	vadd.f32 v32, v7;
	v38 =	vld [tilespmem:s30+$0x0];
	s30 =	sadd.s32 s26, s17;
	v21 =	vadd.s32 v21, v55;
	vm13 =	vgt.f32 v56, v11;
	v34 =	vpop (erf)  }
0xfd: {  	s31 =	sadd.s32 s26, s4;
	s8 =	sadd.s32 s19, s30;
	v50 =	vadd.f32 v23, v19;
	vm9 =	vmand vm9, vm13;
	v60 =	vmax.f32 v20, v18;
	v33 =	vpop (erf)  }
0xfe: {  	s10 =	sadd.s32 s19, s31;
	v41 =	vld [tilespmem:s8+$0x0];
	v20 =	vmov v40;
	v40 =	vmul.f32 $1.442695020e+00, v59;
	v49 =	vadd.f32 $1.000000000e+00, v34;
	v37 =	vpop (erf)  }
0xff: {  	p1 =	sne.s32 s9, $0x1F0;
	v57 =	vld [tilespmem:s10+$0x0];
	vm13 =	vmxor vm13, vm9;
	v43 =	vsub.f32 v58, v35;
	v51 =	vadd.f32 $1.000000000e+00, v33;
	v32 =	vpop (erf)  }
.Ltmp4:
0x100: {  	v9 =	vmovc v58;
	vm6 =	vgt.f32 v60, v12;
	v52 =	vadd.f32 v37, v49;
	v62 =	vadd.f32 $1.000000000e+00, v32;
	(pc) =	sbr.rel @p1 .LBB2_8-.Ltmp4, $4  }
0x101: {  	s18 =	sadd.s32 s2, s17;
	v58 =	vsub.f32 v38, v35;
	(erf) = vrcp.f32 v50;
	v31 =	vadd.f32 v29, v51;
	v36 =	vpop (erf)  }
0x102: {  	s4 =	sadd.s32 s2, s4;
	s6 =	sadd.s32 s19, s18;
	v18 =	vmovc v63;
	v11 =	vmovc v35;
	v35 =	vmul.f32 $1.442695020e+00, v61;
	(erf) = vrcp.f32 v52;
	v63 =	vadd.f32 v36, v62  }
0x103: {  	s31 =	sadd.s32 s19, s4;
	v24 =	vld [tilespmem:s6+$0x0];
	s30 =	sadd.s32 s26, s20;
	v12 =	vmovc v42;
	v19 =	vmovc v38;
	vm11 =	vmand vm11, vm6;
	v39 =	vmul.f32 $1.442695020e+00, v58;
	(erf) = vrcp.f32 v31  }
0x104: {  	s9 =	sadd.s32 $0x10, s9;
	v30 =	vld [tilespmem:s31+$0x0];
	s4 =	sadd.s32 s19, s30;
	v38 =	vsub.f32 v57, v41;
	v17 =	vmovc v41;
	v22 =	vmovc v57;
	v41 =	vmul.f32 $1.442695020e+00, v43;
	(erf) = vrcp.f32 v63  }
0x105: {  	vm15 =	vmxor vm15, vm10;
	v48 =	vmpcnt.ones.xlane vm13;
	vm7 =	vmxor vm6, vm11  }
0x106: {  	vm14 =	vmxor vm14, vm12;
	v59 =	vmpcnt.ones.xlane vm12;
	v61 =	vmpcnt.ones.xlane vm11  }
0x107: {  	vm6 =	vmor vm12, vm11;
	v31 =	vmul.f32 $1.442695020e+00, v38;
	(erf) = vpow2.f32 v41  }
0x108: {  	v42 =	vmpcnt.ones.xlane vm15;
	v44 =	vmpcnt.ones.xlane vm14;
	vm6 =	vmor vm6, vm10  }
0x109: {  	v41 =	vld [tilespmem:s4+$0x0];
	v43 =	vmpcnt.ones.xlane vm7;
	(erf) = vpow2.f32 v39;
	vm6 =	vmor vm6, vm9  }
0x10a: {  	v5 =	vadd.s32 v5, v44;
	v60 =	vnsel vm6, $0x0, v10;
	v45 =	vsub.f32 v30, v24;
	v49 =	vpop (erf)  }
0x10b: {  	s0 =	sadd.s32 s2, s20;
	vm6 =	vge.f32 v19, v9;
	(erf) = vpow2.f32 v40;
	v28 =	vmul.f32 v49, v28  }
0x10c: {  	s0 =	sadd.s32 s19, s0;
	v9 =	vmax.f32 v19, v9;
	v50 =	vpop (erf);
	v55 =	vmul.f32 $1.442695020e+00, v45;
	v23 =	vmul.f32 v49, v23  }
0x10d: {  	v5 =	vadd.s32 v43, v5;
	v40 =	vld [tilespmem:s0+$0x0];
	v45 =	vmpcnt.ones.xlane vm10;
	v34 =	vmul.f32 v50, v34  }
0x10e: {  	v46 =	vsub.f32 v41, v17;
	v37 =	vmul.f32 v50, v37;
	v51 =	vpop (erf);
	(erf) = vpow2.f32 v31  }
0x10f: {  	v5 =	vadd.s32 v42, v5;
	v33 =	vmul.f32 v51, v33;
	v29 =	vmul.f32 v51, v29  }
0x110: {  	v5 =	vadd.s32 v48, v5;
	v52 =	vpop (erf);
	v53 =	vmul.f32 $1.442695020e+00, v46;
	(erf) = vpow2.f32 v35  }
0x111: {  	v34 =	vnsel vm12, $0x0, v34;
	v37 =	vnsel vm14, $0x0, v37;
	v32 =	vmul.f32 v52, v32  }
0x112: {  	v8 =	vadd.f32 v34, v8;
	v54 =	vsub.f32 v40, v24;
	(erf) = vpow2.f32 v53  }
0x113: {  	v7 =	vadd.f32 v37, v7;
	v33 =	vnsel vm11, $0x0, v33;
	v29 =	vnsel vm7, $0x0, v29  }
0x114: {  	(erf) = vpow2.f32 v55;
	v8 =	vadd.f32 v33, v8;
	v56 =	vmul.f32 $1.442695020e+00, v54  }
0x115: {  	v19 =	vmax.f32 v22, v41;
	v28 =	vnsel vm9, $0x0, v28;
	v57 =	vnsel vm10, $0x0, v32  }
0x116: {  	v7 =	vadd.f32 v29, v7;
	v29 =	vpop (erf);
	v8 =	vadd.f32 v57, v8;
	(erf) = vpow2.f32 v56  }
0x117: {  	v50 =	vmpcnt.ones.xlane vm9;
	v23 =	vnsel vm13, $0x0, v23;
	vm9 =	vge.f32 v20, v18;
	v31 =	vpop (erf)  }
0x118: {  	v18 =	vmax.f32 v20, v18;
	v34 =	vmul.f32 v52, v36;
	v8 =	vadd.f32 v28, v8;
	v28 =	vpop (erf)  }
0x119: {  	vm12 =	vgt.f32 v9, v11;
	vm14 =	vgt.f32 v19, v17;
	v62 =	vadd.f32 $1.000000000e+00, v31;
	v63 =	vpop (erf)  }
0x11a: {  	vm7 =	vge.f32 v30, v40;
	v58 =	vnsel vm15, $0x0, v34;
	v46 =	vadd.f32 $1.000000000e+00, v63;
	v47 =	vpop (erf)  }
0x11b: {  	vm11 =	vge.f32 v22, v41;
	v7 =	vadd.f32 v58, v7;
	v34 =	vadd.f32 v29, v62;
	v49 =	vpop (erf)  }
0x11c: {  	v55 =	vmax.f32 v30, v40;
	v48 =	vadd.f32 $1.000000000e+00, v47;
	v32 =	vadd.f32 v49, v46  }
0x11d: {  	v7 =	vadd.f32 v23, v7;
	v23 =	vadd.s32 v27, v59;
	(erf) = vrcp.f32 v34;
	v51 =	vpop (erf)  }
0x11e: {  	v27 =	vadd.f32 v28, v48;
	v52 =	vadd.f32 $1.000000000e+00, v51;
	(erf) = vrcp.f32 v32  }
0x11f: {  	vm11 =	vmand vm11, vm14;
	vm13 =	vgt.f32 v55, v24;
	vm15 =	vgt.f32 v18, v12;
	v53 =	vpop (erf)  }
0x120: {  	vm14 =	vmxor vm14, vm11;
	(erf) = vrcp.f32 v27;
	v54 =	vadd.f32 v53, v52  }
0x121: {  	vm10 =	vmand vm9, vm15;
	vm9 =	vmand vm7, vm13;
	v18 =	vmpcnt.ones.xlane vm14  }
0x122: {  	vm7 =	vmxor vm13, vm9;
	vm13 =	vmxor vm15, vm10;
	(erf) = vrcp.f32 v54  }
0x123: {  	vm6 =	vmand vm6, vm12;
	v17 =	vmpcnt.ones.xlane vm13  }
0x124: {  	vm12 =	vmxor vm12, vm6;
	v11 =	vmpcnt.ones.xlane vm7;
	v5 =	vadd.s32 v5, v18  }
0x125: {  	v26 =	vadd.s32 v26, v61;
	v9 =	vmpcnt.ones.xlane vm12;
	v5 =	vadd.s32 v17, v5  }
0x126: {  	v10 =	vshll.u32 v10, $0x1;
	v6 =	vor.u32 v6, v60;
	v5 =	vadd.s32 v11, v5;
	v12 =	vpop (erf)  }
0x127: {  	v25 =	vadd.s32 v25, v45;
	v5 =	vadd.s32 v9, v5;
	v9 =	vmpcnt.ones.xlane vm11;
	v19 =	vpop (erf)  }
0x128: {  	v56 =	vadd.s32 v21, v50;
	v60 =	vmul.f32 v12, v31;
	v57 =	vmul.f32 v19, v63  }
0x129: {  	vm15 =	vmor vm11, vm10;
	v12 =	vmul.f32 v12, v29;
	v19 =	vmul.f32 v19, v49;
	v58 =	vpop (erf)  }
0x12a: {  	v11 =	vnsel vm6, $0x0, v60;
	v59 =	vmul.f32 v58, v47;
	v21 =	vnsel vm11, $0x0, v57  }
0x12b: {  	v22 =	vmul.f32 v58, v28;
	v19 =	vnsel vm14, $0x0, v19;
	v61 =	vpop (erf);
	v8 =	vadd.f32 v21, v8  }
0x12c: {  	v7 =	vadd.f32 v19, v7;
	v62 =	vnsel vm10, $0x0, v59;
	v19 =	vmul.f32 v61, v51  }
0x12d: {  	v22 =	vnsel vm13, $0x0, v22;
	v63 =	vmul.f32 v61, v53;
	v8 =	vadd.f32 v62, v8  }
0x12e: {  	v12 =	vnsel vm12, $0x0, v12;
	v7 =	vadd.f32 v22, v7;
	v18 =	vnsel vm9, $0x0, v19  }
0x12f: {  	s28 =	sshll.u32 s25, $0x2;
	v19 =	vnsel vm7, $0x0, v63;
	vm7 =	vmor vm15, vm9;
	v8 =	vadd.f32 v18, v8  }
0x130: {  	s0 =	sadd.s32 s23, s28;
	v7 =	vadd.f32 v19, v7;
	vm7 =	vmor vm7, vm6;
	v18 =	vmpcnt.ones.xlane vm6  }
0x131: {  	s29 =	scvt.s32.f32 s0;
	v17 =	vnsel vm7, $0x0, v10;
	v10 =	vmpcnt.ones.xlane vm10;
	v8 =	vadd.f32 v11, v8  }
0x132: {  	v7 =	vadd.f32 v12, v7;
	v12 =	vadd.s32 v23, v9;
	v9 =	vmpcnt.ones.xlane vm9  }
0x133: {  	s30 =	sor.u32 $0x1, s0;
	s31 =	sor.u32 $0x2, s0;
	vm7 =	vgt.s32 v12, v16;
	v16 =	vmov s29;
	v11 =	vadd.s32 v26, v10  }
0x134: {  	s2 =	scvt.s32.f32 s30;
	s4 =	scvt.s32.f32 s31;
	v19 =	vnsel vm7, $0x44800000, v16;
	v10 =	vadd.s32 v25, v9;
	v9 =	vnsel vm7, $0xBF800000, v16  }
0x135: {  	vm6 =	vgt.s32 v11, v14;
	v4 =	vmin.f32 v4, v19;
	v3 =	vmax.f32 v3, v9  }
0x136: {  	s0 =	sor.u32 $0x3, s0;
	v9 =	vmov s2;
	vm7 =	vgt.s32 v10, v13;
	v13 =	vmov s4  }
0x137: {  	s25 =	sadd.s32 $0x1, s25;
	s0 =	scvt.s32.f32 s0;
	v14 =	vnsel vm6, $0x44800000, v9;
	v16 =	vnsel vm7, $0x44800000, v13;
	v13 =	vnsel vm7, $0xBF800000, v13  }
0x138: {  	p1 =	sne.s32 s25, $0x4;
	v4 =	vmin.f32 v4, v14;
	v14 =	vnsel vm6, $0xBF800000, v9;
	v9 =	vadd.s32 v56, v18  }
.Ltmp5:
0x139: {  	v3 =	vmax.f32 v3, v14;
	vm6 =	vgt.s32 v9, v15;
	v14 =	vmov s0;
	(pc) =	sbr.rel @p1 .LBB2_7-.Ltmp5, $3  }
0x13a: {  	v3 =	vmax.f32 v3, v13;
	v13 =	vnsel vm6, $0x44800000, v14;
	v14 =	vnsel vm6, $0xBF800000, v14;
	_ =	sdelay $0x1  }
0x13b: {  	v6 =	vor.u32 v6, v17;
	v4 =	vmin.f32 v4, v16;
	v15 =	vmov v9  }
0x13c: {  	v16 =	vmovc v12;
	v4 =	vmin.f32 v4, v13;
	v3 =	vmax.f32 v3, v14;
	v13 =	vmovc v10;
	v14 =	vmov v11  }
0x13d: {  	s22 =	sadd.s32 $0x1, s22  }
0x13e: {  	p1 =	sne.s32 s22, $0x4  }
.Ltmp6:
0x13f: {  	_ = 	snop;
	(pc) =	sbr.rel @p1 .LBB2_2-.Ltmp6, $1  }
0x140: {  	_ =	sdelay $0x3  }
0x141: {  	s0 =	simm.s32 $0x0  }
0x142: {  	v13 =	vshll.u32 v0, s0  }
0x143: {  	s2 =	scvt.s32.f32 s0;
	v13 =	vbroadcast v13, $0x0;
	_ =	sdelay $0x1  }
0x144: {  	v15 =	vadd.f32 s2, v1;
	v14 =	vand.u32 v6, v13  }
0x145: {  	v13 =	vimm.f32 $1.024000000e+03;
	vm6 =	veq.s32 v14, $0x0  }
0x146: {  	s2 =	simm.s32 $0x1;
	v14 =	vimm.f32 $-1.000000000e+00;
	v16 =	vsel vm6, $0x44800000, v15;
	v15 =	vsel vm6, $0xBF800000, v15  }
.LBB2_12:
0x147: {  	v17 =	vshll.u32 v0, s2;
	p1 =	sne.s32 s2, $0x1F;
	s2 =	sadd.s32 $0x1, s2;
	v13 =	vmin.f32 v13, v16;
	v14 =	vmax.f32 v14, v15;
	s0 =	sadd.s32 $0x10, s0  }
.Ltmp7:
0x148: {  	v15 =	vbroadcast v17, $0x0;
	s4 =	scvt.s32.f32 s0;
	(pc) =	sbr.rel @p1 .LBB2_12-.Ltmp7, $4  }
0x149: {  	_ = 	snop  }
0x14a: {  	v15 =	vand.u32 v6, v15;
	v17 =	vadd.f32 s4, v1  }
0x14b: {  	vm6 =	veq.s32 v15, $0x0  }
0x14c: {  	v16 =	vsel vm6, $0x44800000, v17;
	v15 =	vsel vm6, $0xBF800000, v17  }
0x14d: {  	[tilespmem:$0xC100] =	vst v8  }
0x14e: {  	[tilespmem:$0xC180] =	vst v7  }
0x14f: {  	v6 =	vadd.s32 v12, v11;
	[tilespmem:$0xC300] =	vst v4  }
0x150: {  	v62 =	vmin.f32 v13, v16;
	[tilespmem:$0xC380] =	vst v3;
	v6 =	vadd.s32 v10, v6  }
0x151: {  	v5 =	vcvt.s32.f32 v5;
	v63 =	vmax.f32 v14, v15;
	[tilespmem:$0xC200] =	vst v62;
	v6 =	vadd.s32 v9, v6  }
0x152: {  	[tilespmem:$0xC280] =	vst v63;
	v6 =	vcvt.s32.f32 v6  }
0x153: {  	[tilespmem:$0xC080] =	vst v5  }
0x154: {  	s0 =	rddreg [dreg:$0xa];
	s2 =	simm.s32 $0xC000;
	s31 =	simm.s32 $0x3;
	[tilespmem:$0xC000] =	vst v6  }
0x155: {  	[spmem:s0] =	stream.linear.scatter [tilespmem:s2], [sflag:$0x3], $0x400, $0x38;
	[tilespmem:$0xD500] =	vst v63  }
.Ltmp8:
0x156: {  	_ =	swait.ge [sflag:s31], $0x400;
	(pc) =	sbr.rel @p0 .LBB2_15-.Ltmp8, $3  }
0x157: {  	[sflag:s31] =	ssyncset.done $0x0  }
0x158: {  	[sflag:s31] =	ssyncadd.s32 $0xFFFFFC00  }
0x159: {  	[bflag:$0x0] =	sbarrier.arrive $0xFFFF;
	_ =	sdelay $0x1  }
0x15a: {  	s0 =	rddreg [dreg:$0xa];
	s2 =	simm.s32 $0xC400;
	s18 =	simm.s32 $0x3  }
0x15b: {  	[tilespmem:s2], [sflag:$0x3] =	stream.linear.gather [spmem:s0], $0x1000, $0x38;
	[tilespmem:$0xD500] =	vst v63  }
0x15c: {  	_ =	swait.ge [sflag:s18], $0x1000  }
0x15d: {  	[sflag:s18] =	ssyncset.done $0x0  }
0x15e: {  	[sflag:s18] =	ssyncadd.s32 $0xFFFFF000  }
0x15f: {  	v3 =	vld [tilespmem:$0xC400]  }
0x160: {  	v4 =	vld [tilespmem:$0xC800]  }
0x161: {  	v5 =	vld [tilespmem:$0xCC00]  }
0x162: {  	v6 =	vld [tilespmem:$0xD000]  }
0x163: {  	v7 =	vld [tilespmem:$0xC480]  }
0x164: {  	v8 =	vld [tilespmem:$0xC880]  }
0x165: {  	v9 =	vld [tilespmem:$0xCC80]  }
0x166: {  	v10 =	vld [tilespmem:$0xD080]  }
0x167: {  	v11 =	vld [tilespmem:$0xC500]  }
0x168: {  	v12 =	vld [tilespmem:$0xC900]  }
0x169: {  	v13 =	vld [tilespmem:$0xCD00]  }
0x16a: {  	v14 =	vld [tilespmem:$0xD100]  }
0x16b: {  	v15 =	vld [tilespmem:$0xC600]  }
0x16c: {  	v16 =	vld [tilespmem:$0xCA00]  }
0x16d: {  	v17 =	vld [tilespmem:$0xCE00]  }
0x16e: {  	v18 =	vld [tilespmem:$0xD200]  }
0x16f: {  	v19 =	vld [tilespmem:$0xC680]  }
0x170: {  	v20 =	vld [tilespmem:$0xCA80]  }
0x171: {  	v21 =	vld [tilespmem:$0xCE80];
	v3 =	vadd.f32 v4, v3  }
0x172: {  	v36 =	vld [tilespmem:$0xD280];
	v11 =	vadd.f32 v12, v11  }
0x173: {  	v37 =	vld [tilespmem:$0xC700];
	v38 =	vadd.f32 v8, v7;
	v3 =	vadd.f32 v5, v3  }
0x174: {  	v39 =	vld [tilespmem:$0xCB00];
	v40 =	vadd.f32 v13, v11  }
0x175: {  	v41 =	vld [tilespmem:$0xCF00];
	v5 =	vadd.f32 v9, v38;
	v3 =	vadd.f32 v6, v3  }
0x176: {  	v42 =	vld [tilespmem:$0xD300];
	v8 =	vadd.f32 v14, v40  }
0x177: {  	v43 =	vld [tilespmem:$0xC780];
	v5 =	vadd.f32 v10, v5;
	(xrf0) =	vmax.scan.msk.f32 $0xffff, v3  }
0x178: {  	v44 =	vld [tilespmem:$0xCF80];
	(xrf2) =	vadd.scan.msk.f32 $0xffff, v8  }
0x179: {  	v45 =	vld [tilespmem:$0xD380];
	(xrf0) =	vmax.scan.msk.f32 $0xffff, v5  }
0x17a: {  	v3 =	vld [tilespmem:$0xCB80]  }
0x17b: {  	v46 =	vmin.f32 v15, v16  }
0x17c: {  	v47 =	vmin.f32 v17, v18;
	v48 =	vmax.f32 v19, v20;
	v4 =	vmax.f32 v21, v36  }
0x17d: {  	v7 =	vmin.f32 v37, v39;
	v10 =	vmin.f32 v46, v47;
	v6 =	vmin.f32 v41, v42  }
0x17e: {  	v4 =	vmax.f32 v48, v4;
	v6 =	vmin.f32 v7, v6;
	(xrf0) =	vmin.scan.msk.f32 $0xffff, v10;
	v49, _, _ =	vpop (xrf0)  }
0x17f: {  	v5 =	vmax.f32 v44, v45;
	v3 =	vmax.f32 v43, v3;
	(xrf0) =	vmax.scan.msk.f32 $0xffff, v4;
	(v2sf) =	vpush v49, $0xF;
	v50, _, _ =	vpop (xrf0)  }
0x180: {  	v3 =	vmax.f32 v3, v5;
	(xrf0) =	vmin.scan.msk.f32 $0xffff, v6;
	(v2sf) =	vpush v50, $0xF  }
0x181: {  	(xrf0) =	vmax.scan.msk.f32 $0xffff, v3;
	_ =	sdelay $0x1  }
0x182: {  	v3, _, _ =	vpop (xrf2)  }
0x183: {  	v51, _, _ =	vpop (xrf0);
	(v2sf) =	vpush v3, $0xF  }
0x184: {  	v52, _, _ =	vpop (xrf0);
	(v2sf) =	vpush v51, $0xF  }
0x185: {  	v53, _, _ =	vpop (xrf0);
	(v2sf) =	vpush v52, $0xF  }
0x186: {  	v55 =	vld [tilespmem:$0xC580];
	(v2sf) =	vpush v53, $0xF;
	v54, _, _ =	vpop (xrf0)  }
0x187: {  	v56 =	vld [tilespmem:$0xC980];
	(v2sf) =	vpush v54, $0xF;
	_ =	sdelay $0x1  }
0x188: {  	v57 =	vld [tilespmem:$0xCD80];
	_ =	sdelay $0x1  }
0x189: {  	v58 =	vld [tilespmem:$0xD180]  }
0x18a: {  	v4 =	vadd.f32 v56, v55  }
0x18b: {  	s23 =	spop (v2sf)  }
0x18c: {  	v4 =	vadd.f32 v57, v4;
	s24 =	spop (v2sf)  }
0x18d: {  	s4 =	sadd.f32 s24, s23  }
0x18e: {  	v4 =	vadd.f32 v58, v4;
	s2 =	sadd.f32 $9.999999970e-07, s24;
	_ =	sdelay $0x1  }
0x18f: {  	(xrf2) =	vadd.scan.msk.f32 $0xffff, v4;
	s6 =	spop (v2sf);
	s9 =	sadd.f32 $9.999999970e-07, s4;
	v59 =	vmov s2  }
0x190: {  	s8 =	spop (v2sf);
	v4 =	vnsel vm0, $0x3F800000, v59  }
0x191: {  	vm6 =	vcmask $0x130C;
	s25 =	spop (v2sf);
	v4 =	vsel vm1, s9, v4  }
0x192: {  	s17 =	sadd.f32 $9.999999970e-07, s23;
	s10 =	spop (v2sf);
	v4 =	vsel vm6, $0x44000000, v4  }
0x193: {  	s0 =	ssub.f32 s25, s8;
	s26 =	spop (v2sf);
	v4 =	vsel vm2, $0x44800000, v4  }
0x194: {  	p1 =	sgt.f32 s23, $0.0e+00;
	s9 =	ssub.f32 s26, s10;
	v4 =	vsel vm4, s17, v4  }
0x195: {  	v60 =	vbroadcast v49, $0xF;
	v4 =	vsel vm8, $0x48800000, v4  }
0x196: {  	v3 =	vbroadcast v3, $0xF;
	vm6 =	vmmov $0x3;
	s0 =	simm.s32 @!p1 $0x0;
	s9 =	simm.s32 @!p1 $0x0;
	(erf) = vrcp.f32 v4  }
0x197: {  	v61 =	vnsel vm6, $0x0, v60;
	vm6 =	vcmask $0x728;
	s28 =	sadd.f32 s9, s0  }
0x198: {  	v3 =	vsel vm6, v61, v3;
	vm6 =	veq.s32 v2, $0x3  }
0x199: {  	v62, _, _ =	vpop (xrf2);
	v3 =	vsel vm6, s9, v3;
	vm6 =	veq.s32 v2, $0x4;
	s2 =	sadd.f32 s28, s28  }
0x19a: {  	v4 =	vbroadcast v62, $0xF;
	v3 =	vsel vm6, s0, v3;
	vm6 =	veq.s32 v2, $0x5  }
0x19b: {  	v3 =	vsel vm6, s2, v3  }
0x19c: {  	s6 =	simm.s32 @!p1 $0x0;
	vm6 =	veq.s32 v2, $0x7;
	v3 =	vsel vm3, v4, v3  }
0x19d: {  	v3 =	vsel vm6, s6, v3;
	vm6 =	veq.s32 v2, $0x8  }
0x19e: {  	v3 =	vsel vm6, s4, v3  }
0x19f: {  	v3 =	vsel vm5, v60, v3;
	v63 =	vpop (erf)  }
0x1a0: {  	v3 =	vmul.f32 v3, v63  }
0x1a1: {  	s29 =	simm.s32 $0x0  }
.Ltmp9:
0x1a2: {  	s31 =	simm.s32 $0xD400;
	s30 =	rddreg [dreg:$0xb];
	[tilespmem:$0xD400] =	vst v3;
	(pc) =	sbr.rel .LBB2_15-.Ltmp9, $4  }
0x1a3: {  	[hbm4b:s30+s29] =	stream.linear.scatter [tilespmem:s31], [sflag:$0x3], $0x80, $0x38;
	[tilespmem:$0xD500] =	vst v63  }
0x1a4: {  	_ =	swait.ge [sflag:s18], $0x80  }
0x1a5: {  	[sflag:s18] =	ssyncset.done $0x0  }
0x1a6: {  	[sflag:s18] =	ssyncadd.s32 $0xFFFFFF80  }
.LBB2_16:
0x1a7: {  	_ =	sfence.sel $0x180000  }
0x1a8: {  	[bflag:$0x0] =	sbarrier.arrive $0xFFFF  }
0x1a9: {  	_ =	strace $0x90000047  }
0x1aa: {  	s0 =	stileid.u32;
	[bflag:$0x2] =	sbarrier.arrive $0xFFFF  }
0x1ab: {  	p0 =	sne.s32 s0, $0x0;
	s0 =	rddreg [dreg:$0x3]  }
0x1ac: {  	s0 =	sadd.s32 @!p0 $0x100000, s0  }
0x1ad: {  	[sflag:s0] =	ssyncadd.tile.s32 @!p0 $0x1;
	_ =	shalt  }
.Lfunc_end2:
_tile_overlayer_lowered:
.L_overlay_start_2:
0x1ae: {  	(tag) =	ssettag $0x2  }
0x1af: {  	s0 =	rddreg [dreg:$0x0];
	s2 =	stileid.u32  }
0x1b0: {  	s1 =	rddreg [dreg:$0x1];
	p0 =	sne.s32 s2, $0x0  }
0x1b1: {  	s3 =	rddreg [dreg:$0x2];
	[bflag:$0x3] =	sbarrier.arrive $0xFFFF;
	s2 =	simm.s32 @!p0 $0x1C03  }
0x1b2: {  	[timem:s3], [sflag:s2] =	dma.local @!p0 [hbm:s0], s1  }
0x1b3: {  	s0 =	simm.s32 @!p0 $0x3  }
0x1b4: {  	_ =	swait.ge @!p0 [sflag:s0], s1  }
0x1b5: {  	s1 =	ssub.s32 @!p0 $0x0, s1;
	[sflag:s0] =	ssyncset.done @!p0 $0x0  }
0x1b6: {  	[sflag:s0] =	ssyncadd.s32 @!p0 s1  }
0x1b7: {  	[bflag:$0x3] =	sbarrier.arrive $0xFFFF  }
0x1b8: {  	_ =	shalt  }

</sc_bundles>
